<compile_context>
chip_gen: v7x
topology: tpu7x:2x2x1
jax: 0.10.2.dev20260603
libtpu: 0.0.44.dev20260713+nightly
codegen_flags: <defaults>
</compile_context>

<pallas_src>
import jax
import jax.numpy as jnp
from jax import lax
from jax.experimental import pallas as pl
from jax.experimental.pallas import tpu as pltpu
from jax.experimental.pallas import tpu_sc as plsc

_VOCAB = 400000
_EMBED = 200
_BATCH = 1024
_SEQ = 200
_N = _BATCH * _SEQ
_E8 = _EMBED // 8
_BT = _BATCH // 128

_INFO = plsc.get_sparse_core_info()
_NC = _INFO.num_cores
_NS = _INFO.num_subcores
_NW = _NC * _NS
_PER_W = _N // _NW
_CHUNK = 128
_NCH = _PER_W // _CHUNK


def _glove_body(batch_hbm, idmap_hbm, tablea_hbm, tableb_hbm, out_hbm,
                bidx, gidx, rowsa, rowsb, cols, sem_id,
                g0, g1, h0, h1, c0, c1):
    gsems = (g0, g1)
    hsems = (h0, h1)
    csems = (c0, c1)
    wid = lax.axis_index("s") * _NC + lax.axis_index("c")
    base = wid * _PER_W

    pltpu.sync_copy(batch_hbm.at[pl.ds(base, _PER_W)], bidx)

    def fire_ids(j, c):
        sl = pl.ds(j * _CHUNK, _CHUNK)
        pltpu.async_copy(idmap_hbm.at[bidx.at[sl]], gidx.at[sl], sem_id)
        return c

    lax.fori_loop(0, _NCH, fire_ids, 0)
    pltpu.make_async_copy(batch_hbm.at[pl.ds(base, _PER_W)], gidx, sem_id).wait()

    lanes = lax.iota(jnp.int32, 16)

    def transpose_slab(b):
        bv = jnp.full((16,), 0, jnp.int32)

        def per_i(i, c):
            iv = lanes * 0 + i
            for ec in range(8):
                ev = lanes + 16 * ec
                v = rowsa[b, i, pl.ds(16 * ec, 16)]
                plsc.store_scatter(cols,
                                   [bv, ev >> 3, ev & 7, iv], v, mask=None)
            for ec in range(5):
                off = 16 * ec if ec < 4 else 72 - 16
                ev = lanes + 128 + off
                v = rowsb[b, i, pl.ds(off, 16)]
                mask = None if ec < 4 else (lanes >= 8)
                plsc.store_scatter(cols,
                                   [bv, ev >> 3, ev & 7, iv], v, mask=mask)
            return c
        lax.fori_loop(0, _CHUNK, per_i, 0)

    for b in range(2):
        sl = pl.ds(b * _CHUNK, _CHUNK)
        pltpu.async_copy(tablea_hbm.at[gidx.at[sl]], rowsa.at[b], gsems[b])
        pltpu.async_copy(tableb_hbm.at[gidx.at[sl]], rowsb.at[b], hsems[b])

    def step(g, c):
        for b in range(2):
            j = 2 * g + b
            q = base // _CHUNK + j
            s = q // _BT
            bt = q - s * _BT
            sl = pl.ds(j * _CHUNK, _CHUNK)
            pltpu.make_async_copy(tablea_hbm.at[gidx.at[sl]],
                                  rowsa.at[b], gsems[b]).wait()
            pltpu.make_async_copy(tableb_hbm.at[gidx.at[sl]],
                                  rowsb.at[b], hsems[b]).wait()

            @pl.when(j >= 1)
            def _():
                pltpu.make_async_copy(cols.at[0, :, :, pl.ds(0, 128)],
                                      out_hbm.at[s, :, bt], csems[0]).wait()

            transpose_slab(b)

            @pl.when(j + 2 < _NCH)
            def _():
                sl2 = pl.ds((j + 2) * _CHUNK, _CHUNK)
                pltpu.async_copy(tablea_hbm.at[gidx.at[sl2]],
                                 rowsa.at[b], gsems[b])
                pltpu.async_copy(tableb_hbm.at[gidx.at[sl2]],
                                 rowsb.at[b], hsems[b])

            pltpu.async_copy(cols.at[0, :, :, pl.ds(0, 128)],
                             out_hbm.at[s, :, bt], csems[0])
        return c

    lax.fori_loop(0, _NCH // 2, step, 0)

    pltpu.make_async_copy(cols.at[0, :, :, pl.ds(0, 128)],
                          out_hbm.at[0, :, 0], csems[0]).wait()


_glove_call = pl.kernel(
    _glove_body,
    out_type=jax.ShapeDtypeStruct((_SEQ, _E8, _BT, 8, 128), jnp.float32),
    mesh=plsc.VectorSubcoreMesh(core_axis_name="c", subcore_axis_name="s"),
    scratch_types=[
        pltpu.VMEM((_PER_W,), jnp.int32),
        pltpu.VMEM((_PER_W,), jnp.int32),
        pltpu.VMEM((2, _CHUNK, 128), jnp.float32),
        pltpu.VMEM((2, _CHUNK, 72), jnp.float32),
        pltpu.VMEM((1, _E8, 8, 129), jnp.float32),
    ] + [pltpu.SemaphoreType.DMA] * 7,
    compiler_params=pltpu.CompilerParams(use_tc_tiling_on_sc=False,
                                         needs_layout_passes=False),
)


@jax.jit
def kernel(batch, id_map, table):
    flat = batch.T.reshape(_N).astype(jnp.int32)
    id_map = id_map.astype(jnp.int32)
    out5d = _glove_call(flat, id_map, table[:, :128], table[:, 128:200])
    return out5d.transpose(2, 4, 0, 1, 3).reshape(_BATCH, _SEQ, _EMBED)

# --- scband reference (transcript-rebuilt; emitter-appended) ---
"""Pipeline reference for scband-glove-24970939859411 (READ-ONLY COPY).

The authoritative reference and input builder live on the scoring server;
editing this copy changes nothing except your own understanding.
"""

import jax, jax.numpy as jnp
import numpy as np

VOCAB = 400000
EMBED = 200
BATCH = 1024
SEQ = 200

def setup_inputs(seed: int = 0) -> dict:
    key = jax.random.key(seed)
    k1, k2, k3 = jax.random.split(key, 3)
    # forward arg: corpus word ids
    batch = jax.random.randint(k1, (BATCH, SEQ), 0, VOCAB, dtype=jnp.int64)
    # models self._lookup_glove / idx2word -> glove id remapping (a gather)
    id_map = jax.random.randint(k2, (VOCAB,), 0, VOCAB, dtype=jnp.int64)
    # pretrained GloVe embedding table (nn.Embedding.from_pretrained)
    table = jax.random.normal(k3, (VOCAB, EMBED), dtype=jnp.float32) * 0.02
    return {"batch": batch, "id_map": id_map, "table": table}

def reference(batch, id_map, table):
    # _get_gloveids: remap corpus word ids to glove vocab ids
    glove_ids = jnp.take(id_map, batch, axis=0)
    # self.embeddings(glove_ids): embedding gather
    out = jnp.take(table, glove_ids, axis=0)
    return out

if __name__ == "__main__":
    import jax
    _d = setup_inputs()
    print(jax.jit(kernel)(*tuple(_d.values())))

</pallas_src>

<mosaic_0001>
#map = affine_map<(d0, d1) -> (0)>
#map1 = affine_map<(d0, d1) -> (0, 0)>
#map2 = affine_map<(d0, d1) -> (0, 0, 0, 0, 0)>
module attributes {stable_mosaic.version = 14 : i64} {
  func.func @_glove_body(%arg0: i32, %arg1: i32, %arg2: memref<204800xi32, #tpu.memory_space<hbm>>, %arg3: memref<400000xi32, #tpu.memory_space<hbm>>, %arg4: memref<400000x128xf32, #tpu.memory_space<hbm>>, %arg5: memref<400000x72xf32, #tpu.memory_space<hbm>>, %arg6: memref<200x25x8x8x128xf32, #tpu.memory_space<hbm>>, %arg7: memref<6400xi32, #tpu.memory_space<vmem>>, %arg8: memref<6400xi32, #tpu.memory_space<vmem>>, %arg9: memref<2x128x128xf32, #tpu.memory_space<vmem>>, %arg10: memref<2x128x72xf32, #tpu.memory_space<vmem>>, %arg11: memref<1x25x8x129xf32, #tpu.memory_space<vmem>>, %arg12: memref<!tpu.dma_semaphore, #tpu.memory_space<semaphore_mem>>, %arg13: memref<!tpu.dma_semaphore, #tpu.memory_space<semaphore_mem>>, %arg14: memref<!tpu.dma_semaphore, #tpu.memory_space<semaphore_mem>>, %arg15: memref<!tpu.dma_semaphore, #tpu.memory_space<semaphore_mem>>, %arg16: memref<!tpu.dma_semaphore, #tpu.memory_space<semaphore_mem>>, %arg17: memref<!tpu.dma_semaphore, #tpu.memory_space<semaphore_mem>>, %arg18: memref<!tpu.dma_semaphore, #tpu.memory_space<semaphore_mem>>) attributes {dimension_semantics = [#tpu.dimension_semantics<core_parallel>, #tpu.dimension_semantics<subcore_parallel>], iteration_bounds = array<i64: 2, 16>, scalar_prefetch = 0 : i64, scratch_operands = 12 : i64, tpu.core_type = #tpu.core_type<sc_vector_subcore>, window_params = [{transform_indices = #map}, {transform_indices = #map}, {transform_indices = #map1}, {transform_indices = #map1}, {transform_indices = #map2}]} {
    %mul3A = arith.constant 2 : i32
    %mul3A_0 = arith.muli %arg1, %mul3A : i32
    %add3A = arith.addi %mul3A_0, %arg0 : i32
    %mul3A_1 = arith.constant 6400 : i32
    %mul3A_2 = arith.muli %add3A, %mul3A_1 : i32
    "tpu.region"() ({
      %run_scoped3A = tpu.sem_alloc : memref<!tpu.dma_semaphore, #tpu.memory_space<semaphore_mem>>
      %dma_start3A_77 = tpu.memref_slice %arg2[%mul3A_2] : memref<204800xi32, #tpu.memory_space<hbm>> -> memref<6400xi32, #tpu.memory_space<hbm>>
      %dma_start3A_78 = tpu.memref_slice %arg2[%mul3A_2] : memref<204800xi32, #tpu.memory_space<hbm>> -> memref<6400xi32, #tpu.memory_space<hbm>>
      tpu.enqueue_dma source(%dma_start3A_78 : memref<6400xi32, #tpu.memory_space<hbm>>) target(%arg7 : memref<6400xi32, #tpu.memory_space<vmem>>) target_semaphore(%run_scoped3A : memref<!tpu.dma_semaphore, #tpu.memory_space<semaphore_mem>>)
      %dma_wait3A_79 = tpu.memref_slice %arg2[%mul3A_2] : memref<204800xi32, #tpu.memory_space<hbm>> -> memref<6400xi32, #tpu.memory_space<hbm>>
      %dma_wait3A_80 = tpu.memref_slice %arg2[%mul3A_2] : memref<204800xi32, #tpu.memory_space<hbm>> -> memref<6400xi32, #tpu.memory_space<hbm>>
      tpu.wait_dma2 semaphore(%run_scoped3A : memref<!tpu.dma_semaphore, #tpu.memory_space<semaphore_mem>>) src(%dma_wait3A_80 : memref<6400xi32, #tpu.memory_space<hbm>>) dst(%arg7 : memref<6400xi32, #tpu.memory_space<vmem>>)
      tpu.yield
    }) : () -> ()
    %scan3A = arith.constant 0 : i32
    %scan3A_3 = arith.constant 0 : i32
    %scan3A_4 = arith.constant 50 : i32
    %scan3A_5 = arith.addi %scan3A_3, %scan3A_4 : i32
    %scan3A_6 = arith.constant 1 : i32
    scf.for %scan3A_77 = %scan3A_3 to %scan3A_5 step %scan3A_6  : i32 {
      %mul3A_78 = arith.constant 128 : i32
      %mul3A_79 = arith.muli %scan3A_77, %mul3A_78 : i32
      %dma_start3A_80 = tpu.memref_slice %arg8[%mul3A_79] : memref<6400xi32, #tpu.memory_space<vmem>> -> memref<128xi32, #tpu.memory_space<vmem>>
      %dma_start3A_81 = tpu.memref_slice %arg7[%mul3A_79] : memref<6400xi32, #tpu.memory_space<vmem>> -> memref<128xi32, #tpu.memory_space<vmem>>
      %dma_start3A_82 = arith.constant 0 : i32
      %dma_start3A_83 = tpu.memref_slice %arg3[%dma_start3A_82] : memref<400000xi32, #tpu.memory_space<hbm>> -> memref<400000xi32, #tpu.memory_space<hbm>>
      tpu.enqueue_indirect_dma source(%dma_start3A_83 : memref<400000xi32, #tpu.memory_space<hbm>>) target(%dma_start3A_80 : memref<128xi32, #tpu.memory_space<vmem>>) offsets(%dma_start3A_81 : memref<128xi32, #tpu.memory_space<vmem>>) semaphore(%arg12 : memref<!tpu.dma_semaphore, #tpu.memory_space<semaphore_mem>>)
    }
    %scan3A_7 = arith.constant 50 : i32
    %dma_wait3A = tpu.memref_slice %arg2[%mul3A_2] : memref<204800xi32, #tpu.memory_space<hbm>> -> memref<6400xi32, #tpu.memory_space<hbm>>
    %dma_wait3A_8 = tpu.memref_slice %arg2[%mul3A_2] : memref<204800xi32, #tpu.memory_space<hbm>> -> memref<6400xi32, #tpu.memory_space<hbm>>
    tpu.wait_dma2 semaphore(%arg12 : memref<!tpu.dma_semaphore, #tpu.memory_space<semaphore_mem>>) src(%dma_wait3A_8 : memref<6400xi32, #tpu.memory_space<hbm>>) dst(%arg8 : memref<6400xi32, #tpu.memory_space<vmem>>)
    %iota3A = tpu.iota {dimensions = array<i32: 0>} : vector<16xi32>
    %dma_start3A = arith.constant 0 : i32
    %dma_start3A_9 = arith.constant 0 : i32
    %dma_start3A_10 = arith.constant 0 : i32
    %dma_start3A_11 = tpu.memref_slice %arg9[%dma_start3A, %dma_start3A_9, %dma_start3A_10] : memref<2x128x128xf32, #tpu.memory_space<vmem>> -> memref<1x128x128xf32, #tpu.memory_space<vmem>>
    %dma_start3A_12 = tpu.memref_squeeze %dma_start3A_11 : memref<1x128x128xf32, #tpu.memory_space<vmem>> -> memref<128x128xf32, #tpu.memory_space<vmem>>
    %dma_start3A_13 = arith.constant 0 : i32
    %dma_start3A_14 = tpu.memref_slice %arg8[%dma_start3A_13] : memref<6400xi32, #tpu.memory_space<vmem>> -> memref<128xi32, #tpu.memory_space<vmem>>
    %dma_start3A_15 = arith.constant 0 : i32
    %dma_start3A_16 = arith.constant 0 : i32
    %dma_start3A_17 = tpu.memref_slice %arg4[%dma_start3A_15, %dma_start3A_16] : memref<400000x128xf32, #tpu.memory_space<hbm>> -> memref<400000x128xf32, #tpu.memory_space<hbm>>
    tpu.enqueue_indirect_dma source(%dma_start3A_17 : memref<400000x128xf32, #tpu.memory_space<hbm>>) target(%dma_start3A_12 : memref<128x128xf32, #tpu.memory_space<vmem>>) offsets(%dma_start3A_14 : memref<128xi32, #tpu.memory_space<vmem>>) semaphore(%arg13 : memref<!tpu.dma_semaphore, #tpu.memory_space<semaphore_mem>>)
    %dma_start3A_18 = arith.constant 0 : i32
    %dma_start3A_19 = arith.constant 0 : i32
    %dma_start3A_20 = arith.constant 0 : i32
    %dma_start3A_21 = tpu.memref_slice %arg10[%dma_start3A_18, %dma_start3A_19, %dma_start3A_20] : memref<2x128x72xf32, #tpu.memory_space<vmem>> -> memref<1x128x72xf32, #tpu.memory_space<vmem>>
    %dma_start3A_22 = tpu.memref_squeeze %dma_start3A_21 : memref<1x128x72xf32, #tpu.memory_space<vmem>> -> memref<128x72xf32, #tpu.memory_space<vmem>>
    %dma_start3A_23 = arith.constant 0 : i32
    %dma_start3A_24 = tpu.memref_slice %arg8[%dma_start3A_23] : memref<6400xi32, #tpu.memory_space<vmem>> -> memref<128xi32, #tpu.memory_space<vmem>>
    %dma_start3A_25 = arith.constant 0 : i32
    %dma_start3A_26 = arith.constant 0 : i32
    %dma_start3A_27 = tpu.memref_slice %arg5[%dma_start3A_25, %dma_start3A_26] : memref<400000x72xf32, #tpu.memory_space<hbm>> -> memref<400000x72xf32, #tpu.memory_space<hbm>>
    tpu.enqueue_indirect_dma source(%dma_start3A_27 : memref<400000x72xf32, #tpu.memory_space<hbm>>) target(%dma_start3A_22 : memref<128x72xf32, #tpu.memory_space<vmem>>) offsets(%dma_start3A_24 : memref<128xi32, #tpu.memory_space<vmem>>) semaphore(%arg15 : memref<!tpu.dma_semaphore, #tpu.memory_space<semaphore_mem>>)
    %dma_start3A_28 = arith.constant 1 : i32
    %dma_start3A_29 = arith.constant 0 : i32
    %dma_start3A_30 = arith.constant 0 : i32
    %dma_start3A_31 = tpu.memref_slice %arg9[%dma_start3A_28, %dma_start3A_29, %dma_start3A_30] : memref<2x128x128xf32, #tpu.memory_space<vmem>> -> memref<1x128x128xf32, #tpu.memory_space<vmem>>
    %dma_start3A_32 = tpu.memref_squeeze %dma_start3A_31 : memref<1x128x128xf32, #tpu.memory_space<vmem>> -> memref<128x128xf32, #tpu.memory_space<vmem>>
    %dma_start3A_33 = arith.constant 128 : i32
    %dma_start3A_34 = tpu.memref_slice %arg8[%dma_start3A_33] : memref<6400xi32, #tpu.memory_space<vmem>> -> memref<128xi32, #tpu.memory_space<vmem>>
    %dma_start3A_35 = arith.constant 0 : i32
    %dma_start3A_36 = arith.constant 0 : i32
    %dma_start3A_37 = tpu.memref_slice %arg4[%dma_start3A_35, %dma_start3A_36] : memref<400000x128xf32, #tpu.memory_space<hbm>> -> memref<400000x128xf32, #tpu.memory_space<hbm>>
    tpu.enqueue_indirect_dma source(%dma_start3A_37 : memref<400000x128xf32, #tpu.memory_space<hbm>>) target(%dma_start3A_32 : memref<128x128xf32, #tpu.memory_space<vmem>>) offsets(%dma_start3A_34 : memref<128xi32, #tpu.memory_space<vmem>>) semaphore(%arg14 : memref<!tpu.dma_semaphore, #tpu.memory_space<semaphore_mem>>)
    %dma_start3A_38 = arith.constant 1 : i32
    %dma_start3A_39 = arith.constant 0 : i32
    %dma_start3A_40 = arith.constant 0 : i32
    %dma_start3A_41 = tpu.memref_slice %arg10[%dma_start3A_38, %dma_start3A_39, %dma_start3A_40] : memref<2x128x72xf32, #tpu.memory_space<vmem>> -> memref<1x128x72xf32, #tpu.memory_space<vmem>>
    %dma_start3A_42 = tpu.memref_squeeze %dma_start3A_41 : memref<1x128x72xf32, #tpu.memory_space<vmem>> -> memref<128x72xf32, #tpu.memory_space<vmem>>
    %dma_start3A_43 = arith.constant 128 : i32
    %dma_start3A_44 = tpu.memref_slice %arg8[%dma_start3A_43] : memref<6400xi32, #tpu.memory_space<vmem>> -> memref<128xi32, #tpu.memory_space<vmem>>
    %dma_start3A_45 = arith.constant 0 : i32
    %dma_start3A_46 = arith.constant 0 : i32
    %dma_start3A_47 = tpu.memref_slice %arg5[%dma_start3A_45, %dma_start3A_46] : memref<400000x72xf32, #tpu.memory_space<hbm>> -> memref<400000x72xf32, #tpu.memory_space<hbm>>
    tpu.enqueue_indirect_dma source(%dma_start3A_47 : memref<400000x72xf32, #tpu.memory_space<hbm>>) target(%dma_start3A_42 : memref<128x72xf32, #tpu.memory_space<vmem>>) offsets(%dma_start3A_44 : memref<128xi32, #tpu.memory_space<vmem>>) semaphore(%arg16 : memref<!tpu.dma_semaphore, #tpu.memory_space<semaphore_mem>>)
    %scan3A_48 = arith.constant 0 : i32
    %scan3A_49 = arith.constant 0 : i32
    %scan3A_50 = arith.constant 25 : i32
    %scan3A_51 = arith.addi %scan3A_49, %scan3A_50 : i32
    %scan3A_52 = arith.constant 1 : i32
    scf.for %scan3A_77 = %scan3A_49 to %scan3A_51 step %scan3A_52  : i32 {
      %mul3A_78 = arith.constant 2 : i32
      %mul3A_79 = arith.muli %mul3A_78, %scan3A_77 : i32
      %add3A_80 = arith.constant 0 : i32
      %add3A_81 = arith.addi %mul3A_79, %add3A_80 : i32
      %jit3A = arith.constant 128 : i32
      %div3A = arith.divsi %mul3A_2, %jit3A : i32
      %sign3A = arith.constant 0 : i32
      %sign3A_82 = arith.cmpi sgt, %mul3A_2, %sign3A : i32
      %sign3A_83 = arith.extui %sign3A_82 : i1 to i32
      %sign3A_84 = arith.constant 0 : i32
      %sign3A_85 = arith.cmpi slt, %mul3A_2, %sign3A_84 : i32
      %sign3A_86 = arith.extui %sign3A_85 : i1 to i32
      %sign3A_87 = arith.subi %sign3A_83, %sign3A_86 : i32
      %sign3A_88 = arith.constant 0 : i32
      %sign3A_89 = arith.cmpi sgt, %jit3A, %sign3A_88 : i32
      %sign3A_90 = arith.extui %sign3A_89 : i1 to i32
      %sign3A_91 = arith.constant 0 : i32
      %sign3A_92 = arith.cmpi slt, %jit3A, %sign3A_91 : i32
      %sign3A_93 = arith.extui %sign3A_92 : i1 to i32
      %sign3A_94 = arith.subi %sign3A_90, %sign3A_93 : i32
      %ne3A = arith.cmpi ne, %sign3A_87, %sign3A_94 : i32
      %rem3A = arith.remsi %mul3A_2, %jit3A : i32
      %ne3A_95 = arith.constant 0 : i32
      %ne3A_96 = arith.cmpi ne, %rem3A, %ne3A_95 : i32
      %and3A = arith.andi %ne3A, %ne3A_96 : i1
      %sub3A = arith.constant 1 : i32
      %sub3A_97 = arith.subi %div3A, %sub3A : i32
      %select_n3A = arith.select %and3A, %sub3A_97, %div3A : i32
      %add3A_98 = arith.addi %select_n3A, %add3A_81 : i32
      %jit3A_99 = arith.constant 8 : i32
      %div3A_100 = arith.divsi %add3A_98, %jit3A_99 : i32
      %sign3A_101 = arith.constant 0 : i32
      %sign3A_102 = arith.cmpi sgt, %add3A_98, %sign3A_101 : i32
      %sign3A_103 = arith.extui %sign3A_102 : i1 to i32
      %sign3A_104 = arith.constant 0 : i32
      %sign3A_105 = arith.cmpi slt, %add3A_98, %sign3A_104 : i32
      %sign3A_106 = arith.extui %sign3A_105 : i1 to i32
      %sign3A_107 = arith.subi %sign3A_103, %sign3A_106 : i32
      %sign3A_108 = arith.constant 0 : i32
      %sign3A_109 = arith.cmpi sgt, %jit3A_99, %sign3A_108 : i32
      %sign3A_110 = arith.extui %sign3A_109 : i1 to i32
      %sign3A_111 = arith.constant 0 : i32
      %sign3A_112 = arith.cmpi slt, %jit3A_99, %sign3A_111 : i32
      %sign3A_113 = arith.extui %sign3A_112 : i1 to i32
      %sign3A_114 = arith.subi %sign3A_110, %sign3A_113 : i32
      %ne3A_115 = arith.cmpi ne, %sign3A_107, %sign3A_114 : i32
      %rem3A_116 = arith.remsi %add3A_98, %jit3A_99 : i32
      %ne3A_117 = arith.constant 0 : i32
      %ne3A_118 = arith.cmpi ne, %rem3A_116, %ne3A_117 : i32
      %and3A_119 = arith.andi %ne3A_115, %ne3A_118 : i1
      %sub3A_120 = arith.constant 1 : i32
      %sub3A_121 = arith.subi %div3A_100, %sub3A_120 : i32
      %select_n3A_122 = arith.select %and3A_119, %sub3A_121, %div3A_100 : i32
      %mul3A_123 = arith.constant 8 : i32
      %mul3A_124 = arith.muli %select_n3A_122, %mul3A_123 : i32
      %sub3A_125 = arith.subi %add3A_98, %mul3A_124 : i32
      %mul3A_126 = arith.constant 128 : i32
      %mul3A_127 = arith.muli %add3A_81, %mul3A_126 : i32
      %dma_wait3A_128 = arith.constant 0 : i32
      %dma_wait3A_129 = arith.constant 0 : i32
      %dma_wait3A_130 = arith.constant 0 : i32
      %dma_wait3A_131 = tpu.memref_slice %arg9[%dma_wait3A_128, %dma_wait3A_129, %dma_wait3A_130] : memref<2x128x128xf32, #tpu.memory_space<vmem>> -> memref<1x128x128xf32, #tpu.memory_space<vmem>>
      %dma_wait3A_132 = tpu.memref_squeeze %dma_wait3A_131 : memref<1x128x128xf32, #tpu.memory_space<vmem>> -> memref<128x128xf32, #tpu.memory_space<vmem>>
      %dma_wait3A_133 = tpu.memref_slice %arg8[%mul3A_127] : memref<6400xi32, #tpu.memory_space<vmem>> -> memref<128xi32, #tpu.memory_space<vmem>>
      %dma_wait3A_134 = arith.constant 0 : i32
      %dma_wait3A_135 = arith.constant 0 : i32
      %dma_wait3A_136 = tpu.memref_slice %arg4[%dma_wait3A_134, %dma_wait3A_135] : memref<400000x128xf32, #tpu.memory_space<hbm>> -> memref<400000x128xf32, #tpu.memory_space<hbm>>
      tpu.wait_indirect_dma semaphore(%arg13 : memref<!tpu.dma_semaphore, #tpu.memory_space<semaphore_mem>>) src(%dma_wait3A_136 : memref<400000x128xf32, #tpu.memory_space<hbm>>) dst(%dma_wait3A_132 : memref<128x128xf32, #tpu.memory_space<vmem>>)
      %dma_wait3A_137 = arith.constant 0 : i32
      %dma_wait3A_138 = arith.constant 0 : i32
      %dma_wait3A_139 = arith.constant 0 : i32
      %dma_wait3A_140 = tpu.memref_slice %arg10[%dma_wait3A_137, %dma_wait3A_138, %dma_wait3A_139] : memref<2x128x72xf32, #tpu.memory_space<vmem>> -> memref<1x128x72xf32, #tpu.memory_space<vmem>>
      %dma_wait3A_141 = tpu.memref_squeeze %dma_wait3A_140 : memref<1x128x72xf32, #tpu.memory_space<vmem>> -> memref<128x72xf32, #tpu.memory_space<vmem>>
      %dma_wait3A_142 = tpu.memref_slice %arg8[%mul3A_127] : memref<6400xi32, #tpu.memory_space<vmem>> -> memref<128xi32, #tpu.memory_space<vmem>>
      %dma_wait3A_143 = arith.constant 0 : i32
      %dma_wait3A_144 = arith.constant 0 : i32
      %dma_wait3A_145 = tpu.memref_slice %arg5[%dma_wait3A_143, %dma_wait3A_144] : memref<400000x72xf32, #tpu.memory_space<hbm>> -> memref<400000x72xf32, #tpu.memory_space<hbm>>
      tpu.wait_indirect_dma semaphore(%arg15 : memref<!tpu.dma_semaphore, #tpu.memory_space<semaphore_mem>>) src(%dma_wait3A_145 : memref<400000x72xf32, #tpu.memory_space<hbm>>) dst(%dma_wait3A_141 : memref<128x72xf32, #tpu.memory_space<vmem>>)
      %ge3A = arith.constant 1 : i32
      %ge3A_146 = arith.cmpi sge, %add3A_81, %ge3A : i32
      %convert_element_type3A = arith.extui %ge3A_146 : i1 to i32
      %cond3A = arith.constant 0 : i32
      %cond3A_147 = arith.cmpi ne, %convert_element_type3A, %cond3A : i32
      scf.if %cond3A_147 {
        %dma_wait3A_299 = arith.constant 0 : i32
        %dma_wait3A_300 = arith.constant 0 : i32
        %dma_wait3A_301 = arith.constant 0 : i32
        %dma_wait3A_302 = arith.constant 0 : i32
        %dma_wait3A_303 = tpu.memref_slice %arg11[%dma_wait3A_299, %dma_wait3A_300, %dma_wait3A_301, %dma_wait3A_302] : memref<1x25x8x129xf32, #tpu.memory_space<vmem>> -> memref<1x25x8x128xf32, #tpu.memory_space<vmem>>
        %dma_wait3A_304 = tpu.memref_squeeze %dma_wait3A_303 : memref<1x25x8x128xf32, #tpu.memory_space<vmem>> -> memref<25x8x128xf32, #tpu.memory_space<vmem>>
        %dma_wait3A_305 = arith.constant 0 : i32
        %dma_wait3A_306 = arith.constant 0 : i32
        %dma_wait3A_307 = arith.constant 0 : i32
        %dma_wait3A_308 = tpu.memref_slice %arg6[%select_n3A_122, %dma_wait3A_305, %sub3A_125, %dma_wait3A_306, %dma_wait3A_307] : memref<200x25x8x8x128xf32, #tpu.memory_space<hbm>> -> memref<1x25x1x8x128xf32, #tpu.memory_space<hbm>>
        %dma_wait3A_309 = tpu.memref_squeeze %dma_wait3A_308 : memref<1x25x1x8x128xf32, #tpu.memory_space<hbm>> -> memref<25x8x128xf32, #tpu.memory_space<hbm>>
        %dma_wait3A_310 = arith.constant 0 : i32
        %dma_wait3A_311 = arith.constant 0 : i32
        %dma_wait3A_312 = arith.constant 0 : i32
        %dma_wait3A_313 = tpu.memref_slice %arg6[%select_n3A_122, %dma_wait3A_310, %sub3A_125, %dma_wait3A_311, %dma_wait3A_312] : memref<200x25x8x8x128xf32, #tpu.memory_space<hbm>> -> memref<1x25x1x8x128xf32, #tpu.memory_space<hbm>>
        %dma_wait3A_314 = tpu.memref_squeeze %dma_wait3A_313 : memref<1x25x1x8x128xf32, #tpu.memory_space<hbm>> -> memref<25x8x128xf32, #tpu.memory_space<hbm>>
        %dma_wait3A_315 = arith.constant 0 : i32
        %dma_wait3A_316 = arith.constant 0 : i32
        %dma_wait3A_317 = arith.constant 0 : i32
        %dma_wait3A_318 = tpu.memref_slice %arg11[%dma_wait3A_299, %dma_wait3A_315, %dma_wait3A_316, %dma_wait3A_317] : memref<1x25x8x129xf32, #tpu.memory_space<vmem>> -> memref<1x25x8x128xf32, #tpu.memory_space<vmem>>
        %dma_wait3A_319 = tpu.memref_squeeze %dma_wait3A_318 : memref<1x25x8x128xf32, #tpu.memory_space<vmem>> -> memref<25x8x128xf32, #tpu.memory_space<vmem>>
        tpu.wait_dma2 semaphore(%arg17 : memref<!tpu.dma_semaphore, #tpu.memory_space<semaphore_mem>>) src(%dma_wait3A_319 : memref<25x8x128xf32, #tpu.memory_space<vmem>>) dst(%dma_wait3A_314 : memref<25x8x128xf32, #tpu.memory_space<hbm>>)
      } else {
      }
      %broadcast_in_dim3A = arith.constant 0 : i32
      %broadcast_in_dim3A_148 = vector.broadcast %broadcast_in_dim3A : i32 to vector<16xi32>
      %scan3A_149 = arith.constant 0 : i32
      %scan3A_150 = arith.constant 0 : i32
      %scan3A_151 = arith.constant 128 : i32
      %scan3A_152 = arith.addi %scan3A_150, %scan3A_151 : i32
      %scan3A_153 = arith.constant 1 : i32
      scf.for %scan3A_299 = %scan3A_150 to %scan3A_152 step %scan3A_153  : i32 {
        %mul3A_300 = arith.constant 0 : i32
        %mul3A_301 = vector.broadcast %mul3A_300 : i32 to vector<16xi32>
        %mul3A_302 = arith.muli %iota3A, %mul3A_301 : vector<16xi32>
        %add3A_303 = vector.broadcast %scan3A_299 : i32 to vector<16xi32>
        %add3A_304 = arith.addi %mul3A_302, %add3A_303 : vector<16xi32>
        %add3A_305 = arith.constant 0 : i32
        %add3A_306 = vector.broadcast %add3A_305 : i32 to vector<16xi32>
        %add3A_307 = arith.addi %iota3A, %add3A_306 : vector<16xi32>
        %get3A = arith.constant 0 : i32
        %get3A_308 = arith.index_cast %get3A : i32 to index
        %get3A_309 = arith.index_cast %scan3A_299 : i32 to index
        %get3A_310 = arith.constant 0 : index
        %get3A_311 = tpu.vector_load %arg9[%get3A_308, %get3A_309, %get3A_310] {strides = array<i32>} : memref<2x128x128xf32, #tpu.memory_space<vmem>>, vector<16xf32>,
        %shift_right_arithmetic3A = arith.constant 3 : i32
        %shift_right_arithmetic3A_312 = vector.broadcast %shift_right_arithmetic3A : i32 to vector<16xi32>
        %shift_right_arithmetic3A_313 = arith.shrsi %add3A_307, %shift_right_arithmetic3A_312 : vector<16xi32>
        %and3A_314 = arith.constant 7 : i32
        %and3A_315 = vector.broadcast %and3A_314 : i32 to vector<16xi32>
        %and3A_316 = arith.andi %add3A_307, %and3A_315 : vector<16xi32>
        tpu.vector_store_idx %arg11[%broadcast_in_dim3A_148, %shift_right_arithmetic3A_313, %and3A_316, %add3A_304], %get3A_311 : memref<1x25x8x129xf32, #tpu.memory_space<vmem>>[vector<16xi32>, vector<16xi32>, vector<16xi32>, vector<16xi32>], vector<16xf32>,
        %add3A_317 = arith.constant 16 : i32
        %add3A_318 = vector.broadcast %add3A_317 : i32 to vector<16xi32>
        %add3A_319 = arith.addi %iota3A, %add3A_318 : vector<16xi32>
        %get3A_320 = arith.constant 0 : i32
        %get3A_321 = arith.index_cast %get3A_320 : i32 to index
        %get3A_322 = arith.index_cast %scan3A_299 : i32 to index
        %get3A_323 = arith.constant 16 : index
        %get3A_324 = tpu.vector_load %arg9[%get3A_321, %get3A_322, %get3A_323] {strides = array<i32>} : memref<2x128x128xf32, #tpu.memory_space<vmem>>, vector<16xf32>,
        %shift_right_arithmetic3A_325 = arith.constant 3 : i32
        %shift_right_arithmetic3A_326 = vector.broadcast %shift_right_arithmetic3A_325 : i32 to vector<16xi32>
        %shift_right_arithmetic3A_327 = arith.shrsi %add3A_319, %shift_right_arithmetic3A_326 : vector<16xi32>
        %and3A_328 = arith.constant 7 : i32
        %and3A_329 = vector.broadcast %and3A_328 : i32 to vector<16xi32>
        %and3A_330 = arith.andi %add3A_319, %and3A_329 : vector<16xi32>
        tpu.vector_store_idx %arg11[%broadcast_in_dim3A_148, %shift_right_arithmetic3A_327, %and3A_330, %add3A_304], %get3A_324 : memref<1x25x8x129xf32, #tpu.memory_space<vmem>>[vector<16xi32>, vector<16xi32>, vector<16xi32>, vector<16xi32>], vector<16xf32>,
        %add3A_331 = arith.constant 32 : i32
        %add3A_332 = vector.broadcast %add3A_331 : i32 to vector<16xi32>
        %add3A_333 = arith.addi %iota3A, %add3A_332 : vector<16xi32>
        %get3A_334 = arith.constant 0 : i32
        %get3A_335 = arith.index_cast %get3A_334 : i32 to index
        %get3A_336 = arith.index_cast %scan3A_299 : i32 to index
        %get3A_337 = arith.constant 32 : index
        %get3A_338 = tpu.vector_load %arg9[%get3A_335, %get3A_336, %get3A_337] {strides = array<i32>} : memref<2x128x128xf32, #tpu.memory_space<vmem>>, vector<16xf32>,
        %shift_right_arithmetic3A_339 = arith.constant 3 : i32
        %shift_right_arithmetic3A_340 = vector.broadcast %shift_right_arithmetic3A_339 : i32 to vector<16xi32>
        %shift_right_arithmetic3A_341 = arith.shrsi %add3A_333, %shift_right_arithmetic3A_340 : vector<16xi32>
        %and3A_342 = arith.constant 7 : i32
        %and3A_343 = vector.broadcast %and3A_342 : i32 to vector<16xi32>
        %and3A_344 = arith.andi %add3A_333, %and3A_343 : vector<16xi32>
        tpu.vector_store_idx %arg11[%broadcast_in_dim3A_148, %shift_right_arithmetic3A_341, %and3A_344, %add3A_304], %get3A_338 : memref<1x25x8x129xf32, #tpu.memory_space<vmem>>[vector<16xi32>, vector<16xi32>, vector<16xi32>, vector<16xi32>], vector<16xf32>,
        %add3A_345 = arith.constant 48 : i32
        %add3A_346 = vector.broadcast %add3A_345 : i32 to vector<16xi32>
        %add3A_347 = arith.addi %iota3A, %add3A_346 : vector<16xi32>
        %get3A_348 = arith.constant 0 : i32
        %get3A_349 = arith.index_cast %get3A_348 : i32 to index
        %get3A_350 = arith.index_cast %scan3A_299 : i32 to index
        %get3A_351 = arith.constant 48 : index
        %get3A_352 = tpu.vector_load %arg9[%get3A_349, %get3A_350, %get3A_351] {strides = array<i32>} : memref<2x128x128xf32, #tpu.memory_space<vmem>>, vector<16xf32>,
        %shift_right_arithmetic3A_353 = arith.constant 3 : i32
        %shift_right_arithmetic3A_354 = vector.broadcast %shift_right_arithmetic3A_353 : i32 to vector<16xi32>
        %shift_right_arithmetic3A_355 = arith.shrsi %add3A_347, %shift_right_arithmetic3A_354 : vector<16xi32>
        %and3A_356 = arith.constant 7 : i32
        %and3A_357 = vector.broadcast %and3A_356 : i32 to vector<16xi32>
        %and3A_358 = arith.andi %add3A_347, %and3A_357 : vector<16xi32>
        tpu.vector_store_idx %arg11[%broadcast_in_dim3A_148, %shift_right_arithmetic3A_355, %and3A_358, %add3A_304], %get3A_352 : memref<1x25x8x129xf32, #tpu.memory_space<vmem>>[vector<16xi32>, vector<16xi32>, vector<16xi32>, vector<16xi32>], vector<16xf32>,
        %add3A_359 = arith.constant 64 : i32
        %add3A_360 = vector.broadcast %add3A_359 : i32 to vector<16xi32>
        %add3A_361 = arith.addi %iota3A, %add3A_360 : vector<16xi32>
        %get3A_362 = arith.constant 0 : i32
        %get3A_363 = arith.index_cast %get3A_362 : i32 to index
        %get3A_364 = arith.index_cast %scan3A_299 : i32 to index
        %get3A_365 = arith.constant 64 : index
        %get3A_366 = tpu.vector_load %arg9[%get3A_363, %get3A_364, %get3A_365] {strides = array<i32>} : memref<2x128x128xf32, #tpu.memory_space<vmem>>, vector<16xf32>,
        %shift_right_arithmetic3A_367 = arith.constant 3 : i32
        %shift_right_arithmetic3A_368 = vector.broadcast %shift_right_arithmetic3A_367 : i32 to vector<16xi32>
        %shift_right_arithmetic3A_369 = arith.shrsi %add3A_361, %shift_right_arithmetic3A_368 : vector<16xi32>
        %and3A_370 = arith.constant 7 : i32
        %and3A_371 = vector.broadcast %and3A_370 : i32 to vector<16xi32>
        %and3A_372 = arith.andi %add3A_361, %and3A_371 : vector<16xi32>
        tpu.vector_store_idx %arg11[%broadcast_in_dim3A_148, %shift_right_arithmetic3A_369, %and3A_372, %add3A_304], %get3A_366 : memref<1x25x8x129xf32, #tpu.memory_space<vmem>>[vector<16xi32>, vector<16xi32>, vector<16xi32>, vector<16xi32>], vector<16xf32>,
        %add3A_373 = arith.constant 80 : i32
        %add3A_374 = vector.broadcast %add3A_373 : i32 to vector<16xi32>
        %add3A_375 = arith.addi %iota3A, %add3A_374 : vector<16xi32>
        %get3A_376 = arith.constant 0 : i32
        %get3A_377 = arith.index_cast %get3A_376 : i32 to index
        %get3A_378 = arith.index_cast %scan3A_299 : i32 to index
        %get3A_379 = arith.constant 80 : index
        %get3A_380 = tpu.vector_load %arg9[%get3A_377, %get3A_378, %get3A_379] {strides = array<i32>} : memref<2x128x128xf32, #tpu.memory_space<vmem>>, vector<16xf32>,
        %shift_right_arithmetic3A_381 = arith.constant 3 : i32
        %shift_right_arithmetic3A_382 = vector.broadcast %shift_right_arithmetic3A_381 : i32 to vector<16xi32>
        %shift_right_arithmetic3A_383 = arith.shrsi %add3A_375, %shift_right_arithmetic3A_382 : vector<16xi32>
        %and3A_384 = arith.constant 7 : i32
        %and3A_385 = vector.broadcast %and3A_384 : i32 to vector<16xi32>
        %and3A_386 = arith.andi %add3A_375, %and3A_385 : vector<16xi32>
        tpu.vector_store_idx %arg11[%broadcast_in_dim3A_148, %shift_right_arithmetic3A_383, %and3A_386, %add3A_304], %get3A_380 : memref<1x25x8x129xf32, #tpu.memory_space<vmem>>[vector<16xi32>, vector<16xi32>, vector<16xi32>, vector<16xi32>], vector<16xf32>,
        %add3A_387 = arith.constant 96 : i32
        %add3A_388 = vector.broadcast %add3A_387 : i32 to vector<16xi32>
        %add3A_389 = arith.addi %iota3A, %add3A_388 : vector<16xi32>
        %get3A_390 = arith.constant 0 : i32
        %get3A_391 = arith.index_cast %get3A_390 : i32 to index
        %get3A_392 = arith.index_cast %scan3A_299 : i32 to index
        %get3A_393 = arith.constant 96 : index
        %get3A_394 = tpu.vector_load %arg9[%get3A_391, %get3A_392, %get3A_393] {strides = array<i32>} : memref<2x128x128xf32, #tpu.memory_space<vmem>>, vector<16xf32>,
        %shift_right_arithmetic3A_395 = arith.constant 3 : i32
        %shift_right_arithmetic3A_396 = vector.broadcast %shift_right_arithmetic3A_395 : i32 to vector<16xi32>
        %shift_right_arithmetic3A_397 = arith.shrsi %add3A_389, %shift_right_arithmetic3A_396 : vector<16xi32>
        %and3A_398 = arith.constant 7 : i32
        %and3A_399 = vector.broadcast %and3A_398 : i32 to vector<16xi32>
        %and3A_400 = arith.andi %add3A_389, %and3A_399 : vector<16xi32>
        tpu.vector_store_idx %arg11[%broadcast_in_dim3A_148, %shift_right_arithmetic3A_397, %and3A_400, %add3A_304], %get3A_394 : memref<1x25x8x129xf32, #tpu.memory_space<vmem>>[vector<16xi32>, vector<16xi32>, vector<16xi32>, vector<16xi32>], vector<16xf32>,
        %add3A_401 = arith.constant 112 : i32
        %add3A_402 = vector.broadcast %add3A_401 : i32 to vector<16xi32>
        %add3A_403 = arith.addi %iota3A, %add3A_402 : vector<16xi32>
        %get3A_404 = arith.constant 0 : i32
        %get3A_405 = arith.index_cast %get3A_404 : i32 to index
        %get3A_406 = arith.index_cast %scan3A_299 : i32 to index
        %get3A_407 = arith.constant 112 : index
        %get3A_408 = tpu.vector_load %arg9[%get3A_405, %get3A_406, %get3A_407] {strides = array<i32>} : memref<2x128x128xf32, #tpu.memory_space<vmem>>, vector<16xf32>,
        %shift_right_arithmetic3A_409 = arith.constant 3 : i32
        %shift_right_arithmetic3A_410 = vector.broadcast %shift_right_arithmetic3A_409 : i32 to vector<16xi32>
        %shift_right_arithmetic3A_411 = arith.shrsi %add3A_403, %shift_right_arithmetic3A_410 : vector<16xi32>
        %and3A_412 = arith.constant 7 : i32
        %and3A_413 = vector.broadcast %and3A_412 : i32 to vector<16xi32>
        %and3A_414 = arith.andi %add3A_403, %and3A_413 : vector<16xi32>
        tpu.vector_store_idx %arg11[%broadcast_in_dim3A_148, %shift_right_arithmetic3A_411, %and3A_414, %add3A_304], %get3A_408 : memref<1x25x8x129xf32, #tpu.memory_space<vmem>>[vector<16xi32>, vector<16xi32>, vector<16xi32>, vector<16xi32>], vector<16xf32>,
        %add3A_415 = arith.constant 128 : i32
        %add3A_416 = vector.broadcast %add3A_415 : i32 to vector<16xi32>
        %add3A_417 = arith.addi %iota3A, %add3A_416 : vector<16xi32>
        %add3A_418 = arith.constant 0 : i32
        %add3A_419 = vector.broadcast %add3A_418 : i32 to vector<16xi32>
        %add3A_420 = arith.addi %add3A_417, %add3A_419 : vector<16xi32>
        %get3A_421 = arith.constant 0 : i32
        %get3A_422 = arith.index_cast %get3A_421 : i32 to index
        %get3A_423 = arith.index_cast %scan3A_299 : i32 to index
        %get3A_424 = arith.constant 0 : index
        %get3A_425 = tpu.vector_load %arg10[%get3A_422, %get3A_423, %get3A_424] {strides = array<i32>} : memref<2x128x72xf32, #tpu.memory_space<vmem>>, vector<16xf32>,
        %shift_right_arithmetic3A_426 = arith.constant 3 : i32
        %shift_right_arithmetic3A_427 = vector.broadcast %shift_right_arithmetic3A_426 : i32 to vector<16xi32>
        %shift_right_arithmetic3A_428 = arith.shrsi %add3A_420, %shift_right_arithmetic3A_427 : vector<16xi32>
        %and3A_429 = arith.constant 7 : i32
        %and3A_430 = vector.broadcast %and3A_429 : i32 to vector<16xi32>
        %and3A_431 = arith.andi %add3A_420, %and3A_430 : vector<16xi32>
        tpu.vector_store_idx %arg11[%broadcast_in_dim3A_148, %shift_right_arithmetic3A_428, %and3A_431, %add3A_304], %get3A_425 : memref<1x25x8x129xf32, #tpu.memory_space<vmem>>[vector<16xi32>, vector<16xi32>, vector<16xi32>, vector<16xi32>], vector<16xf32>,
        %add3A_432 = arith.constant 128 : i32
        %add3A_433 = vector.broadcast %add3A_432 : i32 to vector<16xi32>
        %add3A_434 = arith.addi %iota3A, %add3A_433 : vector<16xi32>
        %add3A_435 = arith.constant 16 : i32
        %add3A_436 = vector.broadcast %add3A_435 : i32 to vector<16xi32>
        %add3A_437 = arith.addi %add3A_434, %add3A_436 : vector<16xi32>
        %get3A_438 = arith.constant 0 : i32
        %get3A_439 = arith.index_cast %get3A_438 : i32 to index
        %get3A_440 = arith.index_cast %scan3A_299 : i32 to index
        %get3A_441 = arith.constant 16 : index
        %get3A_442 = tpu.vector_load %arg10[%get3A_439, %get3A_440, %get3A_441] {strides = array<i32>} : memref<2x128x72xf32, #tpu.memory_space<vmem>>, vector<16xf32>,
        %shift_right_arithmetic3A_443 = arith.constant 3 : i32
        %shift_right_arithmetic3A_444 = vector.broadcast %shift_right_arithmetic3A_443 : i32 to vector<16xi32>
        %shift_right_arithmetic3A_445 = arith.shrsi %add3A_437, %shift_right_arithmetic3A_444 : vector<16xi32>
        %and3A_446 = arith.constant 7 : i32
        %and3A_447 = vector.broadcast %and3A_446 : i32 to vector<16xi32>
        %and3A_448 = arith.andi %add3A_437, %and3A_447 : vector<16xi32>
        tpu.vector_store_idx %arg11[%broadcast_in_dim3A_148, %shift_right_arithmetic3A_445, %and3A_448, %add3A_304], %get3A_442 : memref<1x25x8x129xf32, #tpu.memory_space<vmem>>[vector<16xi32>, vector<16xi32>, vector<16xi32>, vector<16xi32>], vector<16xf32>,
        %add3A_449 = arith.constant 128 : i32
        %add3A_450 = vector.broadcast %add3A_449 : i32 to vector<16xi32>
        %add3A_451 = arith.addi %iota3A, %add3A_450 : vector<16xi32>
        %add3A_452 = arith.constant 32 : i32
        %add3A_453 = vector.broadcast %add3A_452 : i32 to vector<16xi32>
        %add3A_454 = arith.addi %add3A_451, %add3A_453 : vector<16xi32>
        %get3A_455 = arith.constant 0 : i32
        %get3A_456 = arith.index_cast %get3A_455 : i32 to index
        %get3A_457 = arith.index_cast %scan3A_299 : i32 to index
        %get3A_458 = arith.constant 32 : index
        %get3A_459 = tpu.vector_load %arg10[%get3A_456, %get3A_457, %get3A_458] {strides = array<i32>} : memref<2x128x72xf32, #tpu.memory_space<vmem>>, vector<16xf32>,
        %shift_right_arithmetic3A_460 = arith.constant 3 : i32
        %shift_right_arithmetic3A_461 = vector.broadcast %shift_right_arithmetic3A_460 : i32 to vector<16xi32>
        %shift_right_arithmetic3A_462 = arith.shrsi %add3A_454, %shift_right_arithmetic3A_461 : vector<16xi32>
        %and3A_463 = arith.constant 7 : i32
        %and3A_464 = vector.broadcast %and3A_463 : i32 to vector<16xi32>
        %and3A_465 = arith.andi %add3A_454, %and3A_464 : vector<16xi32>
        tpu.vector_store_idx %arg11[%broadcast_in_dim3A_148, %shift_right_arithmetic3A_462, %and3A_465, %add3A_304], %get3A_459 : memref<1x25x8x129xf32, #tpu.memory_space<vmem>>[vector<16xi32>, vector<16xi32>, vector<16xi32>, vector<16xi32>], vector<16xf32>,
        %add3A_466 = arith.constant 128 : i32
        %add3A_467 = vector.broadcast %add3A_466 : i32 to vector<16xi32>
        %add3A_468 = arith.addi %iota3A, %add3A_467 : vector<16xi32>
        %add3A_469 = arith.constant 48 : i32
        %add3A_470 = vector.broadcast %add3A_469 : i32 to vector<16xi32>
        %add3A_471 = arith.addi %add3A_468, %add3A_470 : vector<16xi32>
        %get3A_472 = arith.constant 0 : i32
        %get3A_473 = arith.index_cast %get3A_472 : i32 to index
        %get3A_474 = arith.index_cast %scan3A_299 : i32 to index
        %get3A_475 = arith.constant 48 : index
        %get3A_476 = tpu.vector_load %arg10[%get3A_473, %get3A_474, %get3A_475] {strides = array<i32>} : memref<2x128x72xf32, #tpu.memory_space<vmem>>, vector<16xf32>,
        %shift_right_arithmetic3A_477 = arith.constant 3 : i32
        %shift_right_arithmetic3A_478 = vector.broadcast %shift_right_arithmetic3A_477 : i32 to vector<16xi32>
        %shift_right_arithmetic3A_479 = arith.shrsi %add3A_471, %shift_right_arithmetic3A_478 : vector<16xi32>
        %and3A_480 = arith.constant 7 : i32
        %and3A_481 = vector.broadcast %and3A_480 : i32 to vector<16xi32>
        %and3A_482 = arith.andi %add3A_471, %and3A_481 : vector<16xi32>
        tpu.vector_store_idx %arg11[%broadcast_in_dim3A_148, %shift_right_arithmetic3A_479, %and3A_482, %add3A_304], %get3A_476 : memref<1x25x8x129xf32, #tpu.memory_space<vmem>>[vector<16xi32>, vector<16xi32>, vector<16xi32>, vector<16xi32>], vector<16xf32>,
        %add3A_483 = arith.constant 128 : i32
        %add3A_484 = vector.broadcast %add3A_483 : i32 to vector<16xi32>
        %add3A_485 = arith.addi %iota3A, %add3A_484 : vector<16xi32>
        %add3A_486 = arith.constant 56 : i32
        %add3A_487 = vector.broadcast %add3A_486 : i32 to vector<16xi32>
        %add3A_488 = arith.addi %add3A_485, %add3A_487 : vector<16xi32>
        %get3A_489 = arith.constant 0 : i32
        %get3A_490 = arith.index_cast %get3A_489 : i32 to index
        %get3A_491 = arith.index_cast %scan3A_299 : i32 to index
        %get3A_492 = arith.constant 56 : index
        %get3A_493 = tpu.vector_load %arg10[%get3A_490, %get3A_491, %get3A_492] {strides = array<i32>} : memref<2x128x72xf32, #tpu.memory_space<vmem>>, vector<16xf32>,
        %ge3A_494 = arith.constant 8 : i32
        %ge3A_495 = vector.broadcast %ge3A_494 : i32 to vector<16xi32>
        %ge3A_496 = arith.cmpi sge, %iota3A, %ge3A_495 : vector<16xi32>
        %shift_right_arithmetic3A_497 = arith.constant 3 : i32
        %shift_right_arithmetic3A_498 = vector.broadcast %shift_right_arithmetic3A_497 : i32 to vector<16xi32>
        %shift_right_arithmetic3A_499 = arith.shrsi %add3A_488, %shift_right_arithmetic3A_498 : vector<16xi32>
        %and3A_500 = arith.constant 7 : i32
        %and3A_501 = vector.broadcast %and3A_500 : i32 to vector<16xi32>
        %and3A_502 = arith.andi %add3A_488, %and3A_501 : vector<16xi32>
        tpu.vector_store_idx %arg11[%broadcast_in_dim3A_148, %shift_right_arithmetic3A_499, %and3A_502, %add3A_304], %get3A_493 masked %ge3A_496 : memref<1x25x8x129xf32, #tpu.memory_space<vmem>>[vector<16xi32>, vector<16xi32>, vector<16xi32>, vector<16xi32>], vector<16xf32>, vector<16xi1>
      }
      %scan3A_154 = arith.constant 128 : i32
      %add3A_155 = arith.constant 2 : i32
      %add3A_156 = arith.addi %add3A_81, %add3A_155 : i32
      %lt3A = arith.constant 50 : i32
      %lt3A_157 = arith.cmpi slt, %add3A_156, %lt3A : i32
      %convert_element_type3A_158 = arith.extui %lt3A_157 : i1 to i32
      %cond3A_159 = arith.constant 0 : i32
      %cond3A_160 = arith.cmpi ne, %convert_element_type3A_158, %cond3A_159 : i32
      scf.if %cond3A_160 {
        %add3A_299 = arith.constant 2 : i32
        %add3A_300 = arith.addi %add3A_81, %add3A_299 : i32
        %mul3A_301 = arith.constant 128 : i32
        %mul3A_302 = arith.muli %add3A_300, %mul3A_301 : i32
        %dma_start3A_303 = arith.constant 0 : i32
        %dma_start3A_304 = arith.constant 0 : i32
        %dma_start3A_305 = arith.constant 0 : i32
        %dma_start3A_306 = tpu.memref_slice %arg9[%dma_start3A_303, %dma_start3A_304, %dma_start3A_305] : memref<2x128x128xf32, #tpu.memory_space<vmem>> -> memref<1x128x128xf32, #tpu.memory_space<vmem>>
        %dma_start3A_307 = tpu.memref_squeeze %dma_start3A_306 : memref<1x128x128xf32, #tpu.memory_space<vmem>> -> memref<128x128xf32, #tpu.memory_space<vmem>>
        %dma_start3A_308 = tpu.memref_slice %arg8[%mul3A_302] : memref<6400xi32, #tpu.memory_space<vmem>> -> memref<128xi32, #tpu.memory_space<vmem>>
        %dma_start3A_309 = arith.constant 0 : i32
        %dma_start3A_310 = arith.constant 0 : i32
        %dma_start3A_311 = tpu.memref_slice %arg4[%dma_start3A_309, %dma_start3A_310] : memref<400000x128xf32, #tpu.memory_space<hbm>> -> memref<400000x128xf32, #tpu.memory_space<hbm>>
        tpu.enqueue_indirect_dma source(%dma_start3A_311 : memref<400000x128xf32, #tpu.memory_space<hbm>>) target(%dma_start3A_307 : memref<128x128xf32, #tpu.memory_space<vmem>>) offsets(%dma_start3A_308 : memref<128xi32, #tpu.memory_space<vmem>>) semaphore(%arg13 : memref<!tpu.dma_semaphore, #tpu.memory_space<semaphore_mem>>)
        %dma_start3A_312 = arith.constant 0 : i32
        %dma_start3A_313 = arith.constant 0 : i32
        %dma_start3A_314 = arith.constant 0 : i32
        %dma_start3A_315 = tpu.memref_slice %arg10[%dma_start3A_312, %dma_start3A_313, %dma_start3A_314] : memref<2x128x72xf32, #tpu.memory_space<vmem>> -> memref<1x128x72xf32, #tpu.memory_space<vmem>>
        %dma_start3A_316 = tpu.memref_squeeze %dma_start3A_315 : memref<1x128x72xf32, #tpu.memory_space<vmem>> -> memref<128x72xf32, #tpu.memory_space<vmem>>
        %dma_start3A_317 = tpu.memref_slice %arg8[%mul3A_302] : memref<6400xi32, #tpu.memory_space<vmem>> -> memref<128xi32, #tpu.memory_space<vmem>>
        %dma_start3A_318 = arith.constant 0 : i32
        %dma_start3A_319 = arith.constant 0 : i32
        %dma_start3A_320 = tpu.memref_slice %arg5[%dma_start3A_318, %dma_start3A_319] : memref<400000x72xf32, #tpu.memory_space<hbm>> -> memref<400000x72xf32, #tpu.memory_space<hbm>>
        tpu.enqueue_indirect_dma source(%dma_start3A_320 : memref<400000x72xf32, #tpu.memory_space<hbm>>) target(%dma_start3A_316 : memref<128x72xf32, #tpu.memory_space<vmem>>) offsets(%dma_start3A_317 : memref<128xi32, #tpu.memory_space<vmem>>) semaphore(%arg15 : memref<!tpu.dma_semaphore, #tpu.memory_space<semaphore_mem>>)
      } else {
      }
      %dma_start3A_161 = arith.constant 0 : i32
      %dma_start3A_162 = arith.constant 0 : i32
      %dma_start3A_163 = arith.constant 0 : i32
      %dma_start3A_164 = arith.constant 0 : i32
      %dma_start3A_165 = tpu.memref_slice %arg11[%dma_start3A_161, %dma_start3A_162, %dma_start3A_163, %dma_start3A_164] : memref<1x25x8x129xf32, #tpu.memory_space<vmem>> -> memref<1x25x8x128xf32, #tpu.memory_space<vmem>>
      %dma_start3A_166 = tpu.memref_squeeze %dma_start3A_165 : memref<1x25x8x128xf32, #tpu.memory_space<vmem>> -> memref<25x8x128xf32, #tpu.memory_space<vmem>>
      %dma_start3A_167 = arith.constant 0 : i32
      %dma_start3A_168 = arith.constant 0 : i32
      %dma_start3A_169 = arith.constant 0 : i32
      %dma_start3A_170 = tpu.memref_slice %arg6[%select_n3A_122, %dma_start3A_167, %sub3A_125, %dma_start3A_168, %dma_start3A_169] : memref<200x25x8x8x128xf32, #tpu.memory_space<hbm>> -> memref<1x25x1x8x128xf32, #tpu.memory_space<hbm>>
      %dma_start3A_171 = tpu.memref_squeeze %dma_start3A_170 : memref<1x25x1x8x128xf32, #tpu.memory_space<hbm>> -> memref<25x8x128xf32, #tpu.memory_space<hbm>>
      %dma_start3A_172 = arith.constant 0 : i32
      %dma_start3A_173 = arith.constant 0 : i32
      %dma_start3A_174 = arith.constant 0 : i32
      %dma_start3A_175 = tpu.memref_slice %arg6[%select_n3A_122, %dma_start3A_172, %sub3A_125, %dma_start3A_173, %dma_start3A_174] : memref<200x25x8x8x128xf32, #tpu.memory_space<hbm>> -> memref<1x25x1x8x128xf32, #tpu.memory_space<hbm>>
      %dma_start3A_176 = tpu.memref_squeeze %dma_start3A_175 : memref<1x25x1x8x128xf32, #tpu.memory_space<hbm>> -> memref<25x8x128xf32, #tpu.memory_space<hbm>>
      %dma_start3A_177 = arith.constant 0 : i32
      %dma_start3A_178 = arith.constant 0 : i32
      %dma_start3A_179 = arith.constant 0 : i32
      %dma_start3A_180 = tpu.memref_slice %arg11[%dma_start3A_161, %dma_start3A_177, %dma_start3A_178, %dma_start3A_179] : memref<1x25x8x129xf32, #tpu.memory_space<vmem>> -> memref<1x25x8x128xf32, #tpu.memory_space<vmem>>
      %dma_start3A_181 = tpu.memref_squeeze %dma_start3A_180 : memref<1x25x8x128xf32, #tpu.memory_space<vmem>> -> memref<25x8x128xf32, #tpu.memory_space<vmem>>
      tpu.enqueue_dma source(%dma_start3A_181 : memref<25x8x128xf32, #tpu.memory_space<vmem>>) target(%dma_start3A_176 : memref<25x8x128xf32, #tpu.memory_space<hbm>>) target_semaphore(%arg17 : memref<!tpu.dma_semaphore, #tpu.memory_space<semaphore_mem>>)
      %mul3A_182 = arith.constant 2 : i32
      %mul3A_183 = arith.muli %mul3A_182, %scan3A_77 : i32
      %add3A_184 = arith.constant 1 : i32
      %add3A_185 = arith.addi %mul3A_183, %add3A_184 : i32
      %jit3A_186 = arith.constant 128 : i32
      %div3A_187 = arith.divsi %mul3A_2, %jit3A_186 : i32
      %sign3A_188 = arith.constant 0 : i32
      %sign3A_189 = arith.cmpi sgt, %mul3A_2, %sign3A_188 : i32
      %sign3A_190 = arith.extui %sign3A_189 : i1 to i32
      %sign3A_191 = arith.constant 0 : i32
      %sign3A_192 = arith.cmpi slt, %mul3A_2, %sign3A_191 : i32
      %sign3A_193 = arith.extui %sign3A_192 : i1 to i32
      %sign3A_194 = arith.subi %sign3A_190, %sign3A_193 : i32
      %sign3A_195 = arith.constant 0 : i32
      %sign3A_196 = arith.cmpi sgt, %jit3A_186, %sign3A_195 : i32
      %sign3A_197 = arith.extui %sign3A_196 : i1 to i32
      %sign3A_198 = arith.constant 0 : i32
      %sign3A_199 = arith.cmpi slt, %jit3A_186, %sign3A_198 : i32
      %sign3A_200 = arith.extui %sign3A_199 : i1 to i32
      %sign3A_201 = arith.subi %sign3A_197, %sign3A_200 : i32
      %ne3A_202 = arith.cmpi ne, %sign3A_194, %sign3A_201 : i32
      %rem3A_203 = arith.remsi %mul3A_2, %jit3A_186 : i32
      %ne3A_204 = arith.constant 0 : i32
      %ne3A_205 = arith.cmpi ne, %rem3A_203, %ne3A_204 : i32
      %and3A_206 = arith.andi %ne3A_202, %ne3A_205 : i1
      %sub3A_207 = arith.constant 1 : i32
      %sub3A_208 = arith.subi %div3A_187, %sub3A_207 : i32
      %select_n3A_209 = arith.select %and3A_206, %sub3A_208, %div3A_187 : i32
      %add3A_210 = arith.addi %select_n3A_209, %add3A_185 : i32
      %jit3A_211 = arith.constant 8 : i32
      %div3A_212 = arith.divsi %add3A_210, %jit3A_211 : i32
      %sign3A_213 = arith.constant 0 : i32
      %sign3A_214 = arith.cmpi sgt, %add3A_210, %sign3A_213 : i32
      %sign3A_215 = arith.extui %sign3A_214 : i1 to i32
      %sign3A_216 = arith.constant 0 : i32
      %sign3A_217 = arith.cmpi slt, %add3A_210, %sign3A_216 : i32
      %sign3A_218 = arith.extui %sign3A_217 : i1 to i32
      %sign3A_219 = arith.subi %sign3A_215, %sign3A_218 : i32
      %sign3A_220 = arith.constant 0 : i32
      %sign3A_221 = arith.cmpi sgt, %jit3A_211, %sign3A_220 : i32
      %sign3A_222 = arith.extui %sign3A_221 : i1 to i32
      %sign3A_223 = arith.constant 0 : i32
      %sign3A_224 = arith.cmpi slt, %jit3A_211, %sign3A_223 : i32
      %sign3A_225 = arith.extui %sign3A_224 : i1 to i32
      %sign3A_226 = arith.subi %sign3A_222, %sign3A_225 : i32
      %ne3A_227 = arith.cmpi ne, %sign3A_219, %sign3A_226 : i32
      %rem3A_228 = arith.remsi %add3A_210, %jit3A_211 : i32
      %ne3A_229 = arith.constant 0 : i32
      %ne3A_230 = arith.cmpi ne, %rem3A_228, %ne3A_229 : i32
      %and3A_231 = arith.andi %ne3A_227, %ne3A_230 : i1
      %sub3A_232 = arith.constant 1 : i32
      %sub3A_233 = arith.subi %div3A_212, %sub3A_232 : i32
      %select_n3A_234 = arith.select %and3A_231, %sub3A_233, %div3A_212 : i32
      %mul3A_235 = arith.constant 8 : i32
      %mul3A_236 = arith.muli %select_n3A_234, %mul3A_235 : i32
      %sub3A_237 = arith.subi %add3A_210, %mul3A_236 : i32
      %mul3A_238 = arith.constant 128 : i32
      %mul3A_239 = arith.muli %add3A_185, %mul3A_238 : i32
      %dma_wait3A_240 = arith.constant 1 : i32
      %dma_wait3A_241 = arith.constant 0 : i32
      %dma_wait3A_242 = arith.constant 0 : i32
      %dma_wait3A_243 = tpu.memref_slice %arg9[%dma_wait3A_240, %dma_wait3A_241, %dma_wait3A_242] : memref<2x128x128xf32, #tpu.memory_space<vmem>> -> memref<1x128x128xf32, #tpu.memory_space<vmem>>
      %dma_wait3A_244 = tpu.memref_squeeze %dma_wait3A_243 : memref<1x128x128xf32, #tpu.memory_space<vmem>> -> memref<128x128xf32, #tpu.memory_space<vmem>>
      %dma_wait3A_245 = tpu.memref_slice %arg8[%mul3A_239] : memref<6400xi32, #tpu.memory_space<vmem>> -> memref<128xi32, #tpu.memory_space<vmem>>
      %dma_wait3A_246 = arith.constant 0 : i32
      %dma_wait3A_247 = arith.constant 0 : i32
      %dma_wait3A_248 = tpu.memref_slice %arg4[%dma_wait3A_246, %dma_wait3A_247] : memref<400000x128xf32, #tpu.memory_space<hbm>> -> memref<400000x128xf32, #tpu.memory_space<hbm>>
      tpu.wait_indirect_dma semaphore(%arg14 : memref<!tpu.dma_semaphore, #tpu.memory_space<semaphore_mem>>) src(%dma_wait3A_248 : memref<400000x128xf32, #tpu.memory_space<hbm>>) dst(%dma_wait3A_244 : memref<128x128xf32, #tpu.memory_space<vmem>>)
      %dma_wait3A_249 = arith.constant 1 : i32
      %dma_wait3A_250 = arith.constant 0 : i32
      %dma_wait3A_251 = arith.constant 0 : i32
      %dma_wait3A_252 = tpu.memref_slice %arg10[%dma_wait3A_249, %dma_wait3A_250, %dma_wait3A_251] : memref<2x128x72xf32, #tpu.memory_space<vmem>> -> memref<1x128x72xf32, #tpu.memory_space<vmem>>
      %dma_wait3A_253 = tpu.memref_squeeze %dma_wait3A_252 : memref<1x128x72xf32, #tpu.memory_space<vmem>> -> memref<128x72xf32, #tpu.memory_space<vmem>>
      %dma_wait3A_254 = tpu.memref_slice %arg8[%mul3A_239] : memref<6400xi32, #tpu.memory_space<vmem>> -> memref<128xi32, #tpu.memory_space<vmem>>
      %dma_wait3A_255 = arith.constant 0 : i32
      %dma_wait3A_256 = arith.constant 0 : i32
      %dma_wait3A_257 = tpu.memref_slice %arg5[%dma_wait3A_255, %dma_wait3A_256] : memref<400000x72xf32, #tpu.memory_space<hbm>> -> memref<400000x72xf32, #tpu.memory_space<hbm>>
      tpu.wait_indirect_dma semaphore(%arg16 : memref<!tpu.dma_semaphore, #tpu.memory_space<semaphore_mem>>) src(%dma_wait3A_257 : memref<400000x72xf32, #tpu.memory_space<hbm>>) dst(%dma_wait3A_253 : memref<128x72xf32, #tpu.memory_space<vmem>>)
      %ge3A_258 = arith.constant 1 : i32
      %ge3A_259 = arith.cmpi sge, %add3A_185, %ge3A_258 : i32
      %convert_element_type3A_260 = arith.extui %ge3A_259 : i1 to i32
      %cond3A_261 = arith.constant 0 : i32
      %cond3A_262 = arith.cmpi ne, %convert_element_type3A_260, %cond3A_261 : i32
      scf.if %cond3A_262 {
        %dma_wait3A_299 = arith.constant 0 : i32
        %dma_wait3A_300 = arith.constant 0 : i32
        %dma_wait3A_301 = arith.constant 0 : i32
        %dma_wait3A_302 = arith.constant 0 : i32
        %dma_wait3A_303 = tpu.memref_slice %arg11[%dma_wait3A_299, %dma_wait3A_300, %dma_wait3A_301, %dma_wait3A_302] : memref<1x25x8x129xf32, #tpu.memory_space<vmem>> -> memref<1x25x8x128xf32, #tpu.memory_space<vmem>>
        %dma_wait3A_304 = tpu.memref_squeeze %dma_wait3A_303 : memref<1x25x8x128xf32, #tpu.memory_space<vmem>> -> memref<25x8x128xf32, #tpu.memory_space<vmem>>
        %dma_wait3A_305 = arith.constant 0 : i32
        %dma_wait3A_306 = arith.constant 0 : i32
        %dma_wait3A_307 = arith.constant 0 : i32
        %dma_wait3A_308 = tpu.memref_slice %arg6[%select_n3A_234, %dma_wait3A_305, %sub3A_237, %dma_wait3A_306, %dma_wait3A_307] : memref<200x25x8x8x128xf32, #tpu.memory_space<hbm>> -> memref<1x25x1x8x128xf32, #tpu.memory_space<hbm>>
        %dma_wait3A_309 = tpu.memref_squeeze %dma_wait3A_308 : memref<1x25x1x8x128xf32, #tpu.memory_space<hbm>> -> memref<25x8x128xf32, #tpu.memory_space<hbm>>
        %dma_wait3A_310 = arith.constant 0 : i32
        %dma_wait3A_311 = arith.constant 0 : i32
        %dma_wait3A_312 = arith.constant 0 : i32
        %dma_wait3A_313 = tpu.memref_slice %arg6[%select_n3A_234, %dma_wait3A_310, %sub3A_237, %dma_wait3A_311, %dma_wait3A_312] : memref<200x25x8x8x128xf32, #tpu.memory_space<hbm>> -> memref<1x25x1x8x128xf32, #tpu.memory_space<hbm>>
        %dma_wait3A_314 = tpu.memref_squeeze %dma_wait3A_313 : memref<1x25x1x8x128xf32, #tpu.memory_space<hbm>> -> memref<25x8x128xf32, #tpu.memory_space<hbm>>
        %dma_wait3A_315 = arith.constant 0 : i32
        %dma_wait3A_316 = arith.constant 0 : i32
        %dma_wait3A_317 = arith.constant 0 : i32
        %dma_wait3A_318 = tpu.memref_slice %arg11[%dma_wait3A_299, %dma_wait3A_315, %dma_wait3A_316, %dma_wait3A_317] : memref<1x25x8x129xf32, #tpu.memory_space<vmem>> -> memref<1x25x8x128xf32, #tpu.memory_space<vmem>>
        %dma_wait3A_319 = tpu.memref_squeeze %dma_wait3A_318 : memref<1x25x8x128xf32, #tpu.memory_space<vmem>> -> memref<25x8x128xf32, #tpu.memory_space<vmem>>
        tpu.wait_dma2 semaphore(%arg17 : memref<!tpu.dma_semaphore, #tpu.memory_space<semaphore_mem>>) src(%dma_wait3A_319 : memref<25x8x128xf32, #tpu.memory_space<vmem>>) dst(%dma_wait3A_314 : memref<25x8x128xf32, #tpu.memory_space<hbm>>)
      } else {
      }
      %broadcast_in_dim3A_263 = arith.constant 0 : i32
      %broadcast_in_dim3A_264 = vector.broadcast %broadcast_in_dim3A_263 : i32 to vector<16xi32>
      %scan3A_265 = arith.constant 0 : i32
      %scan3A_266 = arith.constant 0 : i32
      %scan3A_267 = arith.constant 128 : i32
      %scan3A_268 = arith.addi %scan3A_266, %scan3A_267 : i32
      %scan3A_269 = arith.constant 1 : i32
      scf.for %scan3A_299 = %scan3A_266 to %scan3A_268 step %scan3A_269  : i32 {
        %mul3A_300 = arith.constant 0 : i32
        %mul3A_301 = vector.broadcast %mul3A_300 : i32 to vector<16xi32>
        %mul3A_302 = arith.muli %iota3A, %mul3A_301 : vector<16xi32>
        %add3A_303 = vector.broadcast %scan3A_299 : i32 to vector<16xi32>
        %add3A_304 = arith.addi %mul3A_302, %add3A_303 : vector<16xi32>
        %add3A_305 = arith.constant 0 : i32
        %add3A_306 = vector.broadcast %add3A_305 : i32 to vector<16xi32>
        %add3A_307 = arith.addi %iota3A, %add3A_306 : vector<16xi32>
        %get3A = arith.constant 1 : i32
        %get3A_308 = arith.index_cast %get3A : i32 to index
        %get3A_309 = arith.index_cast %scan3A_299 : i32 to index
        %get3A_310 = arith.constant 0 : index
        %get3A_311 = tpu.vector_load %arg9[%get3A_308, %get3A_309, %get3A_310] {strides = array<i32>} : memref<2x128x128xf32, #tpu.memory_space<vmem>>, vector<16xf32>,
        %shift_right_arithmetic3A = arith.constant 3 : i32
        %shift_right_arithmetic3A_312 = vector.broadcast %shift_right_arithmetic3A : i32 to vector<16xi32>
        %shift_right_arithmetic3A_313 = arith.shrsi %add3A_307, %shift_right_arithmetic3A_312 : vector<16xi32>
        %and3A_314 = arith.constant 7 : i32
        %and3A_315 = vector.broadcast %and3A_314 : i32 to vector<16xi32>
        %and3A_316 = arith.andi %add3A_307, %and3A_315 : vector<16xi32>
        tpu.vector_store_idx %arg11[%broadcast_in_dim3A_264, %shift_right_arithmetic3A_313, %and3A_316, %add3A_304], %get3A_311 : memref<1x25x8x129xf32, #tpu.memory_space<vmem>>[vector<16xi32>, vector<16xi32>, vector<16xi32>, vector<16xi32>], vector<16xf32>,
        %add3A_317 = arith.constant 16 : i32
        %add3A_318 = vector.broadcast %add3A_317 : i32 to vector<16xi32>
        %add3A_319 = arith.addi %iota3A, %add3A_318 : vector<16xi32>
        %get3A_320 = arith.constant 1 : i32
        %get3A_321 = arith.index_cast %get3A_320 : i32 to index
        %get3A_322 = arith.index_cast %scan3A_299 : i32 to index
        %get3A_323 = arith.constant 16 : index
        %get3A_324 = tpu.vector_load %arg9[%get3A_321, %get3A_322, %get3A_323] {strides = array<i32>} : memref<2x128x128xf32, #tpu.memory_space<vmem>>, vector<16xf32>,
        %shift_right_arithmetic3A_325 = arith.constant 3 : i32
        %shift_right_arithmetic3A_326 = vector.broadcast %shift_right_arithmetic3A_325 : i32 to vector<16xi32>
        %shift_right_arithmetic3A_327 = arith.shrsi %add3A_319, %shift_right_arithmetic3A_326 : vector<16xi32>
        %and3A_328 = arith.constant 7 : i32
        %and3A_329 = vector.broadcast %and3A_328 : i32 to vector<16xi32>
        %and3A_330 = arith.andi %add3A_319, %and3A_329 : vector<16xi32>
        tpu.vector_store_idx %arg11[%broadcast_in_dim3A_264, %shift_right_arithmetic3A_327, %and3A_330, %add3A_304], %get3A_324 : memref<1x25x8x129xf32, #tpu.memory_space<vmem>>[vector<16xi32>, vector<16xi32>, vector<16xi32>, vector<16xi32>], vector<16xf32>,
        %add3A_331 = arith.constant 32 : i32
        %add3A_332 = vector.broadcast %add3A_331 : i32 to vector<16xi32>
        %add3A_333 = arith.addi %iota3A, %add3A_332 : vector<16xi32>
        %get3A_334 = arith.constant 1 : i32
        %get3A_335 = arith.index_cast %get3A_334 : i32 to index
        %get3A_336 = arith.index_cast %scan3A_299 : i32 to index
        %get3A_337 = arith.constant 32 : index
        %get3A_338 = tpu.vector_load %arg9[%get3A_335, %get3A_336, %get3A_337] {strides = array<i32>} : memref<2x128x128xf32, #tpu.memory_space<vmem>>, vector<16xf32>,
        %shift_right_arithmetic3A_339 = arith.constant 3 : i32
        %shift_right_arithmetic3A_340 = vector.broadcast %shift_right_arithmetic3A_339 : i32 to vector<16xi32>
        %shift_right_arithmetic3A_341 = arith.shrsi %add3A_333, %shift_right_arithmetic3A_340 : vector<16xi32>
        %and3A_342 = arith.constant 7 : i32
        %and3A_343 = vector.broadcast %and3A_342 : i32 to vector<16xi32>
        %and3A_344 = arith.andi %add3A_333, %and3A_343 : vector<16xi32>
        tpu.vector_store_idx %arg11[%broadcast_in_dim3A_264, %shift_right_arithmetic3A_341, %and3A_344, %add3A_304], %get3A_338 : memref<1x25x8x129xf32, #tpu.memory_space<vmem>>[vector<16xi32>, vector<16xi32>, vector<16xi32>, vector<16xi32>], vector<16xf32>,
        %add3A_345 = arith.constant 48 : i32
        %add3A_346 = vector.broadcast %add3A_345 : i32 to vector<16xi32>
        %add3A_347 = arith.addi %iota3A, %add3A_346 : vector<16xi32>
        %get3A_348 = arith.constant 1 : i32
        %get3A_349 = arith.index_cast %get3A_348 : i32 to index
        %get3A_350 = arith.index_cast %scan3A_299 : i32 to index
        %get3A_351 = arith.constant 48 : index
        %get3A_352 = tpu.vector_load %arg9[%get3A_349, %get3A_350, %get3A_351] {strides = array<i32>} : memref<2x128x128xf32, #tpu.memory_space<vmem>>, vector<16xf32>,
        %shift_right_arithmetic3A_353 = arith.constant 3 : i32
        %shift_right_arithmetic3A_354 = vector.broadcast %shift_right_arithmetic3A_353 : i32 to vector<16xi32>
        %shift_right_arithmetic3A_355 = arith.shrsi %add3A_347, %shift_right_arithmetic3A_354 : vector<16xi32>
        %and3A_356 = arith.constant 7 : i32
        %and3A_357 = vector.broadcast %and3A_356 : i32 to vector<16xi32>
        %and3A_358 = arith.andi %add3A_347, %and3A_357 : vector<16xi32>
        tpu.vector_store_idx %arg11[%broadcast_in_dim3A_264, %shift_right_arithmetic3A_355, %and3A_358, %add3A_304], %get3A_352 : memref<1x25x8x129xf32, #tpu.memory_space<vmem>>[vector<16xi32>, vector<16xi32>, vector<16xi32>, vector<16xi32>], vector<16xf32>,
        %add3A_359 = arith.constant 64 : i32
        %add3A_360 = vector.broadcast %add3A_359 : i32 to vector<16xi32>
        %add3A_361 = arith.addi %iota3A, %add3A_360 : vector<16xi32>
        %get3A_362 = arith.constant 1 : i32
        %get3A_363 = arith.index_cast %get3A_362 : i32 to index
        %get3A_364 = arith.index_cast %scan3A_299 : i32 to index
        %get3A_365 = arith.constant 64 : index
        %get3A_366 = tpu.vector_load %arg9[%get3A_363, %get3A_364, %get3A_365] {strides = array<i32>} : memref<2x128x128xf32, #tpu.memory_space<vmem>>, vector<16xf32>,
        %shift_right_arithmetic3A_367 = arith.constant 3 : i32
        %shift_right_arithmetic3A_368 = vector.broadcast %shift_right_arithmetic3A_367 : i32 to vector<16xi32>
        %shift_right_arithmetic3A_369 = arith.shrsi %add3A_361, %shift_right_arithmetic3A_368 : vector<16xi32>
        %and3A_370 = arith.constant 7 : i32
        %and3A_371 = vector.broadcast %and3A_370 : i32 to vector<16xi32>
        %and3A_372 = arith.andi %add3A_361, %and3A_371 : vector<16xi32>
        tpu.vector_store_idx %arg11[%broadcast_in_dim3A_264, %shift_right_arithmetic3A_369, %and3A_372, %add3A_304], %get3A_366 : memref<1x25x8x129xf32, #tpu.memory_space<vmem>>[vector<16xi32>, vector<16xi32>, vector<16xi32>, vector<16xi32>], vector<16xf32>,
        %add3A_373 = arith.constant 80 : i32
        %add3A_374 = vector.broadcast %add3A_373 : i32 to vector<16xi32>
        %add3A_375 = arith.addi %iota3A, %add3A_374 : vector<16xi32>
        %get3A_376 = arith.constant 1 : i32
        %get3A_377 = arith.index_cast %get3A_376 : i32 to index
        %get3A_378 = arith.index_cast %scan3A_299 : i32 to index
        %get3A_379 = arith.constant 80 : index
        %get3A_380 = tpu.vector_load %arg9[%get3A_377, %get3A_378, %get3A_379] {strides = array<i32>} : memref<2x128x128xf32, #tpu.memory_space<vmem>>, vector<16xf32>,
        %shift_right_arithmetic3A_381 = arith.constant 3 : i32
        %shift_right_arithmetic3A_382 = vector.broadcast %shift_right_arithmetic3A_381 : i32 to vector<16xi32>
        %shift_right_arithmetic3A_383 = arith.shrsi %add3A_375, %shift_right_arithmetic3A_382 : vector<16xi32>
        %and3A_384 = arith.constant 7 : i32
        %and3A_385 = vector.broadcast %and3A_384 : i32 to vector<16xi32>
        %and3A_386 = arith.andi %add3A_375, %and3A_385 : vector<16xi32>
        tpu.vector_store_idx %arg11[%broadcast_in_dim3A_264, %shift_right_arithmetic3A_383, %and3A_386, %add3A_304], %get3A_380 : memref<1x25x8x129xf32, #tpu.memory_space<vmem>>[vector<16xi32>, vector<16xi32>, vector<16xi32>, vector<16xi32>], vector<16xf32>,
        %add3A_387 = arith.constant 96 : i32
        %add3A_388 = vector.broadcast %add3A_387 : i32 to vector<16xi32>
        %add3A_389 = arith.addi %iota3A, %add3A_388 : vector<16xi32>
        %get3A_390 = arith.constant 1 : i32
        %get3A_391 = arith.index_cast %get3A_390 : i32 to index
        %get3A_392 = arith.index_cast %scan3A_299 : i32 to index
        %get3A_393 = arith.constant 96 : index
        %get3A_394 = tpu.vector_load %arg9[%get3A_391, %get3A_392, %get3A_393] {strides = array<i32>} : memref<2x128x128xf32, #tpu.memory_space<vmem>>, vector<16xf32>,
        %shift_right_arithmetic3A_395 = arith.constant 3 : i32
        %shift_right_arithmetic3A_396 = vector.broadcast %shift_right_arithmetic3A_395 : i32 to vector<16xi32>
        %shift_right_arithmetic3A_397 = arith.shrsi %add3A_389, %shift_right_arithmetic3A_396 : vector<16xi32>
        %and3A_398 = arith.constant 7 : i32
        %and3A_399 = vector.broadcast %and3A_398 : i32 to vector<16xi32>
        %and3A_400 = arith.andi %add3A_389, %and3A_399 : vector<16xi32>
        tpu.vector_store_idx %arg11[%broadcast_in_dim3A_264, %shift_right_arithmetic3A_397, %and3A_400, %add3A_304], %get3A_394 : memref<1x25x8x129xf32, #tpu.memory_space<vmem>>[vector<16xi32>, vector<16xi32>, vector<16xi32>, vector<16xi32>], vector<16xf32>,
        %add3A_401 = arith.constant 112 : i32
        %add3A_402 = vector.broadcast %add3A_401 : i32 to vector<16xi32>
        %add3A_403 = arith.addi %iota3A, %add3A_402 : vector<16xi32>
        %get3A_404 = arith.constant 1 : i32
        %get3A_405 = arith.index_cast %get3A_404 : i32 to index
        %get3A_406 = arith.index_cast %scan3A_299 : i32 to index
        %get3A_407 = arith.constant 112 : index
        %get3A_408 = tpu.vector_load %arg9[%get3A_405, %get3A_406, %get3A_407] {strides = array<i32>} : memref<2x128x128xf32, #tpu.memory_space<vmem>>, vector<16xf32>,
        %shift_right_arithmetic3A_409 = arith.constant 3 : i32
        %shift_right_arithmetic3A_410 = vector.broadcast %shift_right_arithmetic3A_409 : i32 to vector<16xi32>
        %shift_right_arithmetic3A_411 = arith.shrsi %add3A_403, %shift_right_arithmetic3A_410 : vector<16xi32>
        %and3A_412 = arith.constant 7 : i32
        %and3A_413 = vector.broadcast %and3A_412 : i32 to vector<16xi32>
        %and3A_414 = arith.andi %add3A_403, %and3A_413 : vector<16xi32>
        tpu.vector_store_idx %arg11[%broadcast_in_dim3A_264, %shift_right_arithmetic3A_411, %and3A_414, %add3A_304], %get3A_408 : memref<1x25x8x129xf32, #tpu.memory_space<vmem>>[vector<16xi32>, vector<16xi32>, vector<16xi32>, vector<16xi32>], vector<16xf32>,
        %add3A_415 = arith.constant 128 : i32
        %add3A_416 = vector.broadcast %add3A_415 : i32 to vector<16xi32>
        %add3A_417 = arith.addi %iota3A, %add3A_416 : vector<16xi32>
        %add3A_418 = arith.constant 0 : i32
        %add3A_419 = vector.broadcast %add3A_418 : i32 to vector<16xi32>
        %add3A_420 = arith.addi %add3A_417, %add3A_419 : vector<16xi32>
        %get3A_421 = arith.constant 1 : i32
        %get3A_422 = arith.index_cast %get3A_421 : i32 to index
        %get3A_423 = arith.index_cast %scan3A_299 : i32 to index
        %get3A_424 = arith.constant 0 : index
        %get3A_425 = tpu.vector_load %arg10[%get3A_422, %get3A_423, %get3A_424] {strides = array<i32>} : memref<2x128x72xf32, #tpu.memory_space<vmem>>, vector<16xf32>,
        %shift_right_arithmetic3A_426 = arith.constant 3 : i32
        %shift_right_arithmetic3A_427 = vector.broadcast %shift_right_arithmetic3A_426 : i32 to vector<16xi32>
        %shift_right_arithmetic3A_428 = arith.shrsi %add3A_420, %shift_right_arithmetic3A_427 : vector<16xi32>
        %and3A_429 = arith.constant 7 : i32
        %and3A_430 = vector.broadcast %and3A_429 : i32 to vector<16xi32>
        %and3A_431 = arith.andi %add3A_420, %and3A_430 : vector<16xi32>
        tpu.vector_store_idx %arg11[%broadcast_in_dim3A_264, %shift_right_arithmetic3A_428, %and3A_431, %add3A_304], %get3A_425 : memref<1x25x8x129xf32, #tpu.memory_space<vmem>>[vector<16xi32>, vector<16xi32>, vector<16xi32>, vector<16xi32>], vector<16xf32>,
        %add3A_432 = arith.constant 128 : i32
        %add3A_433 = vector.broadcast %add3A_432 : i32 to vector<16xi32>
        %add3A_434 = arith.addi %iota3A, %add3A_433 : vector<16xi32>
        %add3A_435 = arith.constant 16 : i32
        %add3A_436 = vector.broadcast %add3A_435 : i32 to vector<16xi32>
        %add3A_437 = arith.addi %add3A_434, %add3A_436 : vector<16xi32>
        %get3A_438 = arith.constant 1 : i32
        %get3A_439 = arith.index_cast %get3A_438 : i32 to index
        %get3A_440 = arith.index_cast %scan3A_299 : i32 to index
        %get3A_441 = arith.constant 16 : index
        %get3A_442 = tpu.vector_load %arg10[%get3A_439, %get3A_440, %get3A_441] {strides = array<i32>} : memref<2x128x72xf32, #tpu.memory_space<vmem>>, vector<16xf32>,
        %shift_right_arithmetic3A_443 = arith.constant 3 : i32
        %shift_right_arithmetic3A_444 = vector.broadcast %shift_right_arithmetic3A_443 : i32 to vector<16xi32>
        %shift_right_arithmetic3A_445 = arith.shrsi %add3A_437, %shift_right_arithmetic3A_444 : vector<16xi32>
        %and3A_446 = arith.constant 7 : i32
        %and3A_447 = vector.broadcast %and3A_446 : i32 to vector<16xi32>
        %and3A_448 = arith.andi %add3A_437, %and3A_447 : vector<16xi32>
        tpu.vector_store_idx %arg11[%broadcast_in_dim3A_264, %shift_right_arithmetic3A_445, %and3A_448, %add3A_304], %get3A_442 : memref<1x25x8x129xf32, #tpu.memory_space<vmem>>[vector<16xi32>, vector<16xi32>, vector<16xi32>, vector<16xi32>], vector<16xf32>,
        %add3A_449 = arith.constant 128 : i32
        %add3A_450 = vector.broadcast %add3A_449 : i32 to vector<16xi32>
        %add3A_451 = arith.addi %iota3A, %add3A_450 : vector<16xi32>
        %add3A_452 = arith.constant 32 : i32
        %add3A_453 = vector.broadcast %add3A_452 : i32 to vector<16xi32>
        %add3A_454 = arith.addi %add3A_451, %add3A_453 : vector<16xi32>
        %get3A_455 = arith.constant 1 : i32
        %get3A_456 = arith.index_cast %get3A_455 : i32 to index
        %get3A_457 = arith.index_cast %scan3A_299 : i32 to index
        %get3A_458 = arith.constant 32 : index
        %get3A_459 = tpu.vector_load %arg10[%get3A_456, %get3A_457, %get3A_458] {strides = array<i32>} : memref<2x128x72xf32, #tpu.memory_space<vmem>>, vector<16xf32>,
        %shift_right_arithmetic3A_460 = arith.constant 3 : i32
        %shift_right_arithmetic3A_461 = vector.broadcast %shift_right_arithmetic3A_460 : i32 to vector<16xi32>
        %shift_right_arithmetic3A_462 = arith.shrsi %add3A_454, %shift_right_arithmetic3A_461 : vector<16xi32>
        %and3A_463 = arith.constant 7 : i32
        %and3A_464 = vector.broadcast %and3A_463 : i32 to vector<16xi32>
        %and3A_465 = arith.andi %add3A_454, %and3A_464 : vector<16xi32>
        tpu.vector_store_idx %arg11[%broadcast_in_dim3A_264, %shift_right_arithmetic3A_462, %and3A_465, %add3A_304], %get3A_459 : memref<1x25x8x129xf32, #tpu.memory_space<vmem>>[vector<16xi32>, vector<16xi32>, vector<16xi32>, vector<16xi32>], vector<16xf32>,
        %add3A_466 = arith.constant 128 : i32
        %add3A_467 = vector.broadcast %add3A_466 : i32 to vector<16xi32>
        %add3A_468 = arith.addi %iota3A, %add3A_467 : vector<16xi32>
        %add3A_469 = arith.constant 48 : i32
        %add3A_470 = vector.broadcast %add3A_469 : i32 to vector<16xi32>
        %add3A_471 = arith.addi %add3A_468, %add3A_470 : vector<16xi32>
        %get3A_472 = arith.constant 1 : i32
        %get3A_473 = arith.index_cast %get3A_472 : i32 to index
        %get3A_474 = arith.index_cast %scan3A_299 : i32 to index
        %get3A_475 = arith.constant 48 : index
        %get3A_476 = tpu.vector_load %arg10[%get3A_473, %get3A_474, %get3A_475] {strides = array<i32>} : memref<2x128x72xf32, #tpu.memory_space<vmem>>, vector<16xf32>,
        %shift_right_arithmetic3A_477 = arith.constant 3 : i32
        %shift_right_arithmetic3A_478 = vector.broadcast %shift_right_arithmetic3A_477 : i32 to vector<16xi32>
        %shift_right_arithmetic3A_479 = arith.shrsi %add3A_471, %shift_right_arithmetic3A_478 : vector<16xi32>
        %and3A_480 = arith.constant 7 : i32
        %and3A_481 = vector.broadcast %and3A_480 : i32 to vector<16xi32>
        %and3A_482 = arith.andi %add3A_471, %and3A_481 : vector<16xi32>
        tpu.vector_store_idx %arg11[%broadcast_in_dim3A_264, %shift_right_arithmetic3A_479, %and3A_482, %add3A_304], %get3A_476 : memref<1x25x8x129xf32, #tpu.memory_space<vmem>>[vector<16xi32>, vector<16xi32>, vector<16xi32>, vector<16xi32>], vector<16xf32>,
        %add3A_483 = arith.constant 128 : i32
        %add3A_484 = vector.broadcast %add3A_483 : i32 to vector<16xi32>
        %add3A_485 = arith.addi %iota3A, %add3A_484 : vector<16xi32>
        %add3A_486 = arith.constant 56 : i32
        %add3A_487 = vector.broadcast %add3A_486 : i32 to vector<16xi32>
        %add3A_488 = arith.addi %add3A_485, %add3A_487 : vector<16xi32>
        %get3A_489 = arith.constant 1 : i32
        %get3A_490 = arith.index_cast %get3A_489 : i32 to index
        %get3A_491 = arith.index_cast %scan3A_299 : i32 to index
        %get3A_492 = arith.constant 56 : index
        %get3A_493 = tpu.vector_load %arg10[%get3A_490, %get3A_491, %get3A_492] {strides = array<i32>} : memref<2x128x72xf32, #tpu.memory_space<vmem>>, vector<16xf32>,
        %ge3A_494 = arith.constant 8 : i32
        %ge3A_495 = vector.broadcast %ge3A_494 : i32 to vector<16xi32>
        %ge3A_496 = arith.cmpi sge, %iota3A, %ge3A_495 : vector<16xi32>
        %shift_right_arithmetic3A_497 = arith.constant 3 : i32
        %shift_right_arithmetic3A_498 = vector.broadcast %shift_right_arithmetic3A_497 : i32 to vector<16xi32>
        %shift_right_arithmetic3A_499 = arith.shrsi %add3A_488, %shift_right_arithmetic3A_498 : vector<16xi32>
        %and3A_500 = arith.constant 7 : i32
        %and3A_501 = vector.broadcast %and3A_500 : i32 to vector<16xi32>
        %and3A_502 = arith.andi %add3A_488, %and3A_501 : vector<16xi32>
        tpu.vector_store_idx %arg11[%broadcast_in_dim3A_264, %shift_right_arithmetic3A_499, %and3A_502, %add3A_304], %get3A_493 masked %ge3A_496 : memref<1x25x8x129xf32, #tpu.memory_space<vmem>>[vector<16xi32>, vector<16xi32>, vector<16xi32>, vector<16xi32>], vector<16xf32>, vector<16xi1>
      }
      %scan3A_270 = arith.constant 128 : i32
      %add3A_271 = arith.constant 2 : i32
      %add3A_272 = arith.addi %add3A_185, %add3A_271 : i32
      %lt3A_273 = arith.constant 50 : i32
      %lt3A_274 = arith.cmpi slt, %add3A_272, %lt3A_273 : i32
      %convert_element_type3A_275 = arith.extui %lt3A_274 : i1 to i32
      %cond3A_276 = arith.constant 0 : i32
      %cond3A_277 = arith.cmpi ne, %convert_element_type3A_275, %cond3A_276 : i32
      scf.if %cond3A_277 {
        %add3A_299 = arith.constant 2 : i32
        %add3A_300 = arith.addi %add3A_185, %add3A_299 : i32
        %mul3A_301 = arith.constant 128 : i32
        %mul3A_302 = arith.muli %add3A_300, %mul3A_301 : i32
        %dma_start3A_303 = arith.constant 1 : i32
        %dma_start3A_304 = arith.constant 0 : i32
        %dma_start3A_305 = arith.constant 0 : i32
        %dma_start3A_306 = tpu.memref_slice %arg9[%dma_start3A_303, %dma_start3A_304, %dma_start3A_305] : memref<2x128x128xf32, #tpu.memory_space<vmem>> -> memref<1x128x128xf32, #tpu.memory_space<vmem>>
        %dma_start3A_307 = tpu.memref_squeeze %dma_start3A_306 : memref<1x128x128xf32, #tpu.memory_space<vmem>> -> memref<128x128xf32, #tpu.memory_space<vmem>>
        %dma_start3A_308 = tpu.memref_slice %arg8[%mul3A_302] : memref<6400xi32, #tpu.memory_space<vmem>> -> memref<128xi32, #tpu.memory_space<vmem>>
        %dma_start3A_309 = arith.constant 0 : i32
        %dma_start3A_310 = arith.constant 0 : i32
        %dma_start3A_311 = tpu.memref_slice %arg4[%dma_start3A_309, %dma_start3A_310] : memref<400000x128xf32, #tpu.memory_space<hbm>> -> memref<400000x128xf32, #tpu.memory_space<hbm>>
        tpu.enqueue_indirect_dma source(%dma_start3A_311 : memref<400000x128xf32, #tpu.memory_space<hbm>>) target(%dma_start3A_307 : memref<128x128xf32, #tpu.memory_space<vmem>>) offsets(%dma_start3A_308 : memref<128xi32, #tpu.memory_space<vmem>>) semaphore(%arg14 : memref<!tpu.dma_semaphore, #tpu.memory_space<semaphore_mem>>)
        %dma_start3A_312 = arith.constant 1 : i32
        %dma_start3A_313 = arith.constant 0 : i32
        %dma_start3A_314 = arith.constant 0 : i32
        %dma_start3A_315 = tpu.memref_slice %arg10[%dma_start3A_312, %dma_start3A_313, %dma_start3A_314] : memref<2x128x72xf32, #tpu.memory_space<vmem>> -> memref<1x128x72xf32, #tpu.memory_space<vmem>>
        %dma_start3A_316 = tpu.memref_squeeze %dma_start3A_315 : memref<1x128x72xf32, #tpu.memory_space<vmem>> -> memref<128x72xf32, #tpu.memory_space<vmem>>
        %dma_start3A_317 = tpu.memref_slice %arg8[%mul3A_302] : memref<6400xi32, #tpu.memory_space<vmem>> -> memref<128xi32, #tpu.memory_space<vmem>>
        %dma_start3A_318 = arith.constant 0 : i32
        %dma_start3A_319 = arith.constant 0 : i32
        %dma_start3A_320 = tpu.memref_slice %arg5[%dma_start3A_318, %dma_start3A_319] : memref<400000x72xf32, #tpu.memory_space<hbm>> -> memref<400000x72xf32, #tpu.memory_space<hbm>>
        tpu.enqueue_indirect_dma source(%dma_start3A_320 : memref<400000x72xf32, #tpu.memory_space<hbm>>) target(%dma_start3A_316 : memref<128x72xf32, #tpu.memory_space<vmem>>) offsets(%dma_start3A_317 : memref<128xi32, #tpu.memory_space<vmem>>) semaphore(%arg16 : memref<!tpu.dma_semaphore, #tpu.memory_space<semaphore_mem>>)
      } else {
      }
      %dma_start3A_278 = arith.constant 0 : i32
      %dma_start3A_279 = arith.constant 0 : i32
      %dma_start3A_280 = arith.constant 0 : i32
      %dma_start3A_281 = arith.constant 0 : i32
      %dma_start3A_282 = tpu.memref_slice %arg11[%dma_start3A_278, %dma_start3A_279, %dma_start3A_280, %dma_start3A_281] : memref<1x25x8x129xf32, #tpu.memory_space<vmem>> -> memref<1x25x8x128xf32, #tpu.memory_space<vmem>>
      %dma_start3A_283 = tpu.memref_squeeze %dma_start3A_282 : memref<1x25x8x128xf32, #tpu.memory_space<vmem>> -> memref<25x8x128xf32, #tpu.memory_space<vmem>>
      %dma_start3A_284 = arith.constant 0 : i32
      %dma_start3A_285 = arith.constant 0 : i32
      %dma_start3A_286 = arith.constant 0 : i32
      %dma_start3A_287 = tpu.memref_slice %arg6[%select_n3A_234, %dma_start3A_284, %sub3A_237, %dma_start3A_285, %dma_start3A_286] : memref<200x25x8x8x128xf32, #tpu.memory_space<hbm>> -> memref<1x25x1x8x128xf32, #tpu.memory_space<hbm>>
      %dma_start3A_288 = tpu.memref_squeeze %dma_start3A_287 : memref<1x25x1x8x128xf32, #tpu.memory_space<hbm>> -> memref<25x8x128xf32, #tpu.memory_space<hbm>>
      %dma_start3A_289 = arith.constant 0 : i32
      %dma_start3A_290 = arith.constant 0 : i32
      %dma_start3A_291 = arith.constant 0 : i32
      %dma_start3A_292 = tpu.memref_slice %arg6[%select_n3A_234, %dma_start3A_289, %sub3A_237, %dma_start3A_290, %dma_start3A_291] : memref<200x25x8x8x128xf32, #tpu.memory_space<hbm>> -> memref<1x25x1x8x128xf32, #tpu.memory_space<hbm>>
      %dma_start3A_293 = tpu.memref_squeeze %dma_start3A_292 : memref<1x25x1x8x128xf32, #tpu.memory_space<hbm>> -> memref<25x8x128xf32, #tpu.memory_space<hbm>>
      %dma_start3A_294 = arith.constant 0 : i32
      %dma_start3A_295 = arith.constant 0 : i32
      %dma_start3A_296 = arith.constant 0 : i32
      %dma_start3A_297 = tpu.memref_slice %arg11[%dma_start3A_278, %dma_start3A_294, %dma_start3A_295, %dma_start3A_296] : memref<1x25x8x129xf32, #tpu.memory_space<vmem>> -> memref<1x25x8x128xf32, #tpu.memory_space<vmem>>
      %dma_start3A_298 = tpu.memref_squeeze %dma_start3A_297 : memref<1x25x8x128xf32, #tpu.memory_space<vmem>> -> memref<25x8x128xf32, #tpu.memory_space<vmem>>
      tpu.enqueue_dma source(%dma_start3A_298 : memref<25x8x128xf32, #tpu.memory_space<vmem>>) target(%dma_start3A_293 : memref<25x8x128xf32, #tpu.memory_space<hbm>>) target_semaphore(%arg17 : memref<!tpu.dma_semaphore, #tpu.memory_space<semaphore_mem>>)
    }
    %scan3A_53 = arith.constant 25 : i32
    %dma_wait3A_54 = arith.constant 0 : i32
    %dma_wait3A_55 = arith.constant 0 : i32
    %dma_wait3A_56 = arith.constant 0 : i32
    %dma_wait3A_57 = arith.constant 0 : i32
    %dma_wait3A_58 = arith.constant 0 : i32
    %dma_wait3A_59 = arith.constant 0 : i32
    %dma_wait3A_60 = tpu.memref_slice %arg11[%dma_wait3A_54, %dma_wait3A_57, %dma_wait3A_58, %dma_wait3A_59] : memref<1x25x8x129xf32, #tpu.memory_space<vmem>> -> memref<1x25x8x128xf32, #tpu.memory_space<vmem>>
    %dma_wait3A_61 = tpu.memref_squeeze %dma_wait3A_60 : memref<1x25x8x128xf32, #tpu.memory_space<vmem>> -> memref<25x8x128xf32, #tpu.memory_space<vmem>>
    %dma_wait3A_62 = arith.constant 0 : i32
    %dma_wait3A_63 = arith.constant 0 : i32
    %dma_wait3A_64 = arith.constant 0 : i32
    %dma_wait3A_65 = tpu.memref_slice %arg6[%dma_wait3A_55, %dma_wait3A_62, %dma_wait3A_56, %dma_wait3A_63, %dma_wait3A_64] : memref<200x25x8x8x128xf32, #tpu.memory_space<hbm>> -> memref<1x25x1x8x128xf32, #tpu.memory_space<hbm>>
    %dma_wait3A_66 = tpu.memref_squeeze %dma_wait3A_65 : memref<1x25x1x8x128xf32, #tpu.memory_space<hbm>> -> memref<25x8x128xf32, #tpu.memory_space<hbm>>
    %dma_wait3A_67 = arith.constant 0 : i32
    %dma_wait3A_68 = arith.constant 0 : i32
    %dma_wait3A_69 = arith.constant 0 : i32
    %dma_wait3A_70 = tpu.memref_slice %arg6[%dma_wait3A_55, %dma_wait3A_67, %dma_wait3A_56, %dma_wait3A_68, %dma_wait3A_69] : memref<200x25x8x8x128xf32, #tpu.memory_space<hbm>> -> memref<1x25x1x8x128xf32, #tpu.memory_space<hbm>>
    %dma_wait3A_71 = tpu.memref_squeeze %dma_wait3A_70 : memref<1x25x1x8x128xf32, #tpu.memory_space<hbm>> -> memref<25x8x128xf32, #tpu.memory_space<hbm>>
    %dma_wait3A_72 = arith.constant 0 : i32
    %dma_wait3A_73 = arith.constant 0 : i32
    %dma_wait3A_74 = arith.constant 0 : i32
    %dma_wait3A_75 = tpu.memref_slice %arg11[%dma_wait3A_54, %dma_wait3A_72, %dma_wait3A_73, %dma_wait3A_74] : memref<1x25x8x129xf32, #tpu.memory_space<vmem>> -> memref<1x25x8x128xf32, #tpu.memory_space<vmem>>
    %dma_wait3A_76 = tpu.memref_squeeze %dma_wait3A_75 : memref<1x25x8x128xf32, #tpu.memory_space<vmem>> -> memref<25x8x128xf32, #tpu.memory_space<vmem>>
    tpu.wait_dma2 semaphore(%arg17 : memref<!tpu.dma_semaphore, #tpu.memory_space<semaphore_mem>>) src(%dma_wait3A_76 : memref<25x8x128xf32, #tpu.memory_space<vmem>>) dst(%dma_wait3A_71 : memref<25x8x128xf32, #tpu.memory_space<hbm>>)
    return
  }
}

</mosaic_0001>

<sc_bundles>
// kernel: kernel.3.cloned.1.call-start
scs
__scs_entry_jumppad:
0x0: {  	(pc) =	sbr.rel $0x88, $3  }
0x1: {  	(tag) =	ssettag $0x0;
	lr =	simm.s32 $0x1  }
0x2: {  	[smem:$0x3F9E] =	sst lr;
	_ =	strace $0xD0000000  }
0x3: {  	_ = 	snop  }
0x4: {  	_ = 	snop  }
0x5: {  	_ = 	snop  }
0x6: {  	_ = 	snop  }
0x7: {  	_ = 	snop  }
__scs_overlays_trampoline_lowered:
0x8: {  	[smem:$0x3FAD] =	sst s0  }
0x9: {  	[smem:$0x3FAE] =	sst s1  }
0xa: {  	[smem:$0x3FAF] =	sst s2  }
0xb: {  	[smem:$0x3FB0] =	sst s3  }
0xc: {  	[smem:$0x3FB1] =	sst s4  }
0xd: {  	[smem:$0x3FB2] =	sst s5  }
0xe: {  	[smem:$0x3FB3] =	sst s6  }
0xf: {  	[smem:$0x3FB4] =	sst s7  }
0x10: {  	[smem:$0x3FB5] =	sst s8  }
0x11: {  	[smem:$0x3FB6] =	sst s9;
	s0 =	simm.s32 @!p0 $0x0  }
0x12: {  	s1 =	sld [smem:$0x3F9C];
	s0 =	simm.s32 @p0 $0x1  }
0x13: {  	[smem:$0x3FB7] =	sst s0;
	s0 =	simm.s32 @!p1 $0x0  }
0x14: {  	s2 =	sld [smem:$0x3F9B];
	s0 =	simm.s32 @p1 $0x1  }
0x15: {  	[smem:$0x3FB8] =	sst s0;
	s0 =	simm.s32 @!p2 $0x0  }
0x16: {  	s3 =	sld [smem:$0x3FDB];
	s0 =	simm.s32 @p2 $0x1  }
0x17: {  	s4 =	simm.s32 $0x1BF5;
	[smem:$0x3FBA] =	sst s0  }
0x18: {  	s0 =	sld [smem:$0x3F9D];
	_ =	swait.ge [sflag:s4], $0x0  }
0x19: {  	s7 =	sld [smem:$0x3F9E]  }
0x1a: {  	s8 =	sadd.s32 $0xFFFFE003, lr  }
0x1b: {  	s9 =	sadd.s32 $0xFFFFFEF7, lr;
	s5 =	simm.s32 $0xFFFFFFFF;
	p2 =	slt.u32 s8, $0xFFFFF086  }
0x1c: {  	p1 =	slt.u32 s9, $0xF7A;
	s5 =	simm.s32 @!p2 $0x0  }
0x1d: {  	s5 =	simm.s32 @p1 $0x1;
	p0 =	seq.s32 s7, s2  }
0x1e: {  	s7 =	smul.u32 @!p0 $0xF7A, s2;
	p2 =	seq.s32 @!p0 s5, $0x0  }
0x1f: {  	s9 =	smul.u32 $0xF7A, s1;
	s8 =	simm.s32 @!p0 $0x1BF5;
	p2 =	por !p2, p0  }
0x20: {  	[sflag:s8] =	ssyncset.s32 @!p0 $0xFFFFF086;
	s6 =	sadd.s32 @!p0 s3, s7;
	s7 =	simm.s32 @!p0 $0x108  }
0x21: {  	s3 =	sadd.s32 s3, s9;
	s6 =	sadd.s32 @!p0 $0x88, s6;
	s7 =	simm.s32 @p2 $0x1082  }
0x22: {  	[simem:s7], [sflag:s8] =	dma.local @!p0 [hbm:s6], $0xF7A  }
0x23: {  	s9 =	sor.u32 $0xD0000000, s2;
	s6 =	simm.s32 $0x108;
	_ =	swait.ge @!p0 [sflag:s8], $0x0  }
0x24: {  	s3 =	sadd.s32 $0x88, s3;
	s6 =	simm.s32 @!p1 $0x1082;
	[sflag:s4] =	ssyncset.s32 $0xFFFFF086  }
0x25: {  	[simem:s6], [sflag:s4] =	dma.local [hbm:s3], $0xF7A  }
0x26: {  	[smem:$0x3F9E] =	sst s1;
	(tag) =	ssettag s2;
	_ =	strace s9  }
0x27: {  	s1 =	sld [smem:$0x3FAE]  }
0x28: {  	s2 =	sld [smem:$0x3FAF]  }
0x29: {  	s4 =	sld [smem:$0x3FB1]  }
0x2a: {  	p0 =	seq.s32 s5, $0x0;
	s5 =	sld [smem:$0x3FB2]  }
0x2b: {  	s6 =	sld [smem:$0x3FB3]  }
0x2c: {  	s7 =	sld [smem:$0x3FB4]  }
0x2d: {  	s3 =	simm.s32 $0x108;
	s8 =	sld [smem:$0x3FB5]  }
0x2e: {  	s3 =	simm.s32 @!p0 $0x1082;
	s9 =	sld [smem:$0x3FB6]  }
0x2f: {  	lr =	sadd.s32 s0, s3;
	s0 =	sld [smem:$0x3FAD]  }
0x30: {  	s3 =	sld [smem:$0x3FB0]  }
0x31: {  	[smem:$0x3FB9] =	sst s10  }
0x32: {  	s10 =	sld [smem:$0x3FB7];
	_ =	sdelay $0x3  }
0x33: {  	p0 =	seq.s32 s10, $0x1;
	s10 =	sld [smem:$0x3FB9];
	_ =	sdelay $0x3  }
0x34: {  	[smem:$0x3FB9] =	sst s10  }
0x35: {  	s10 =	sld [smem:$0x3FB8];
	_ =	sdelay $0x3  }
0x36: {  	p1 =	seq.s32 s10, $0x1;
	s10 =	sld [smem:$0x3FB9];
	_ =	sdelay $0x3  }
0x37: {  	[smem:$0x3FB9] =	sst s10  }
0x38: {  	s10 =	sld [smem:$0x3FBA]  }
0x39: {  	_ = 	snop;
	(pc) =	sbr.ind lr, $3  }
0x3a: {  	_ = 	snop  }
0x3b: {  	_ = 	snop  }
0x3c: {  	p2 =	seq.s32 s10, $0x1;
	s10 =	sld [smem:$0x3FB9]  }
0x3d: {  	_ =	shalt  }
0x3e: {  	_ =	shalt  }
0x3f: {  	_ =	shalt  }
0x40: {  	_ =	shalt  }
0x41: {  	_ =	shalt  }
0x42: {  	_ =	shalt  }
0x43: {  	_ =	shalt  }
0x44: {  	_ =	shalt  }
0x45: {  	_ =	shalt  }
0x46: {  	_ =	shalt  }
0x47: {  	_ =	shalt  }
0x48: {  	_ =	shalt  }
0x49: {  	_ =	shalt  }
0x4a: {  	_ =	shalt  }
0x4b: {  	_ =	shalt  }
0x4c: {  	_ =	shalt  }
0x4d: {  	_ =	shalt  }
0x4e: {  	_ =	shalt  }
0x4f: {  	_ =	shalt  }
0x50: {  	_ =	shalt  }
0x51: {  	_ =	shalt  }
0x52: {  	_ =	shalt  }
0x53: {  	_ =	shalt  }
0x54: {  	_ =	shalt  }
0x55: {  	_ =	shalt  }
0x56: {  	_ =	shalt  }
0x57: {  	_ =	shalt  }
0x58: {  	_ =	shalt  }
0x59: {  	_ =	shalt  }
0x5a: {  	_ =	shalt  }
0x5b: {  	_ =	shalt  }
0x5c: {  	_ =	shalt  }
0x5d: {  	_ =	shalt  }
0x5e: {  	_ =	shalt  }
0x5f: {  	_ =	shalt  }
0x60: {  	_ =	shalt  }
0x61: {  	_ =	shalt  }
0x62: {  	_ =	shalt  }
0x63: {  	_ =	shalt  }
0x64: {  	_ =	shalt  }
0x65: {  	_ =	shalt  }
0x66: {  	_ =	shalt  }
0x67: {  	_ =	shalt  }
0x68: {  	_ =	shalt  }
0x69: {  	_ =	shalt  }
0x6a: {  	_ =	shalt  }
0x6b: {  	_ =	shalt  }
0x6c: {  	_ =	shalt  }
0x6d: {  	_ =	shalt  }
0x6e: {  	_ =	shalt  }
0x6f: {  	_ =	shalt  }
0x70: {  	_ =	shalt  }
0x71: {  	_ =	shalt  }
0x72: {  	_ =	shalt  }
0x73: {  	_ =	shalt  }
0x74: {  	_ =	shalt  }
0x75: {  	_ =	shalt  }
0x76: {  	_ =	shalt  }
0x77: {  	_ =	shalt  }
0x78: {  	_ =	shalt  }
0x79: {  	_ =	shalt  }
0x7a: {  	_ =	shalt  }
0x7b: {  	_ =	shalt  }
0x7c: {  	_ =	shalt  }
0x7d: {  	_ =	shalt  }
0x7e: {  	_ =	shalt  }
0x7f: {  	_ =	shalt  }
0x80: {  	_ =	shalt  }
0x81: {  	_ =	shalt  }
0x82: {  	_ =	shalt  }
0x83: {  	_ =	shalt  }
0x84: {  	_ =	shalt  }
0x85: {  	_ =	shalt  }
0x86: {  	_ =	shalt  }
0x87: {  	_ =	shalt  }
.Lfunc_end0:
.L_simem_size_0:
called_computation.2_lowered:
.L_overlay_start_0:
0x88: {  	s2 =	sld [smem:$0x3FD9]  }
0x89: {  	s3 =	sld [smem:$0x3FFE];
	_ =	sdelay $0x1  }
0x8a: {  	s1 =	srdreg.scid  }
0x8b: {  	s0 =	sand.u32 $0x1, s1  }
0x8c: {  	s17 =	sshll.u32 s0, $0xA;
	s2 =	sadd.s32 s3, s2  }
0x8d: {  	s2 =	sadd.s32 s2, s17  }
0x8e: {  	[smem:$0x3FC5] =	sst s2  }
0x8f: {  	_ = 	snop  }
0x90: {  	s2 =	sld [smem:$0x3FC8]  }
0x91: {  	s18 =	sld [smem:$0x3FD0];
	(tm) =	ssettm $0x1  }
0x92: {  	s4 =	sld [smem:$0x3FFB];
	_ =	sdelay $0x3  }
0x93: {  	_ =	strace s4  }
0x94: {  	s4 =	sld [smem:$0x3FFC];
	_ =	sdelay $0x3  }
0x95: {  	_ =	strace s4  }
0x96: {  	s4 =	sld [smem:$0x3FFD];
	_ =	sdelay $0x3  }
0x97: {  	_ =	strace s4  }
0x98: {  	_ =	strace $0x8FFFFFFF  }
0x99: {  	s19 =	sld [smem:$0x3FDB];
	_ =	sdelay $0x1  }
0x9a: {  	s5 =	simm.s32 $_scs_section_size  }
0x9b: {  	s6 =	simm.s32 $_size__tile_overlayer_lowered;
	s7 =	simm.s32 $_tile_overlayer_lowered  }
0x9c: {  	s22 =	simm.s32 $0x1BFF;
	s21 =	sshll.u32 s7, $0x1;
	s4 =	sadd.s32 s5, s19  }
0x9d: {  	s8 =	simm.s32 $0x0;
	s20 =	sshll.u32 s6, $0x1;
	s6 =	sadd.s32 s21, s4  }
0x9e: {  	[timem:s8], [sflag:s22] =	dma.local [hbm:s6], s20  }
0x9f: {  	_ =	swait.ge [sflag:s22], s20  }
0xa0: {  	s5 =	ssub.s32 $0x0, s20;
	[sflag:s22] =	ssyncset.done $0x0  }
0xa1: {  	[sflag:s22] =	ssyncadd.s32 s5;
	_ =	sdelay $0x1  }
0xa2: {  	s23 =	simm.s32 $0x1B8B  }
0xa3: {  	_ =	swait.ge [sflag:s23], $0x1  }
0xa4: {  	[sflag:s23] =	ssyncset.done $0x0  }
0xa5: {  	s25 =	simm.s32 $0x1B8E;
	s24 =	sld [smem:$0x3FFE];
	[sflag:s23] =	ssyncadd.s32 $0xFFFFFFFF  }
0xa6: {  	s26 =	simm.s32 $execute0_lowered;
	[smem:$0x3FD2] =	sst s25  }
0xa7: {  	s6 =	sshll.u32 s26, $0x1;
	_ =	strace $0x8000004C;
	[dreg:$0x1] =	wrdreg $0xFFFFFFFF  }
0xa8: {  	s28 =	simm.s32 $_size_execute0_lowered;
	s4 =	sadd.s32 s4, s6;
	[dreg:$0x0] =	wrdreg $0x0  }
0xa9: {  	s6 =	sshll.u32 s28, $0x1;
	[dreg:$0x2] =	wrdreg s4  }
0xaa: {  	[dreg:$0x3] =	wrdreg s6  }
0xab: {  	[dreg:$0x4] =	wrdreg $0xC0  }
0xac: {  	_ =	task [dreg:s8], $0x5FFFF  }
0xad: {  	[dreg:$0x1] =	wrdreg $0xFFFFFFFF  }
0xae: {  	[dreg:$0x0] =	wrdreg $0x60  }
0xaf: {  	[dreg:$0x2] =	wrdreg s24  }
0xb0: {  	[dreg:$0x3] =	wrdreg s2  }
0xb1: {  	[dreg:$0x4] =	wrdreg s18  }
0xb2: {  	[dreg:$0x5] =	wrdreg $0x9  }
0xb3: {  	_ =	task.clear_ibuf [dreg:s8], $0x6FFFF;
	_ =	strace $0x9000004C  }
0xb4: {  	s29 =	simm.s32 $0x9;
	_ =	strace $0x8000004E  }
0xb5: {  	_ =	swait.ge [sflag:s29], $0x1  }
0xb6: {  	[sflag:s29] =	ssyncadd.s32 $0xFFFFFFFF  }
0xb7: {  	_ =	strace $0x9000004E  }
0xb8: {  	_ =	sfence  }
0xb9: {  	s30 =	sld [smem:$0x0];
	_ =	sdelay $0x2  }
0xba: {  	s31 =	sshll.u32 s1, $0xD;
	s1 =	sshrl.u32 s1, $0x2  }
0xbb: {  	s3 =	sand.u32 $0x4000, s31;
	s1 =	sadd.s32 s1, s30  }
0xbc: {  	s0 =	sor.u32 s3, s0;
	s1 =	sshll.u32 s1, $0x11  }
0xbd: {  	s0 =	sor.u32 s1, s0  }
0xbe: {  	s0 =	sadd.s32 $0x8F2B, s0  }
0xbf: {  	[sflag:s0] =	ssyncadd.remote.s32 $0x1  }
0xc0: {  	_ =	sfence.sel $0xFFFF  }
0xc1: {  	[dreg:$0x0] =	wrdreg $0xFFFFFFFF;
	(pc) =	sbr.abs _section_cstart, $3  }
0xc2: {  	[dreg:$0x1] =	wrdreg $0xFFFFFFFF  }
0xc3: {  	_ =	task.clear_ibuf [dreg:s8], $0x2FFFF;
	_ =	strace $0x9FFFFFFF  }
0xc4: {  	(tm) =	ssettm $0x7FFFFFFF  }
0xc5: {  	_ =	shalt  }
tec
execute0_lowered:
.L_overlay_start_1:
0x0: {  	(tag) =	ssettag $0x1  }
0x1: {  	s0 =	rddreg [dreg:$0x0]  }
0x2: {  	s1 =	srdreg.scid;
	s3 =	stileid.u32  }
0x3: {  	s2 =	rddreg [dreg:$0x1];
	s10 =	simm.s32 $0x7;
	s11 =	simm.s32 $0x80  }
0x4: {  	s12 =	simm.s32 $0x1;
	s13 =	simm.s32 $0x1900;
	s16 =	simm.s32 $0x1980  }
0x5: {  	s18 =	simm.s32 $0xD600;
	s19 =	simm.s32 $0x2;
	s20 =	simm.s32 $0x4  }
0x6: {  	v0 =	vlaneseq.u32;
	s21 =	simm.s32 $0xFA00;
	s22 =	simm.s32 $0x3;
	s23 =	simm.s32 $0x5  }
0x7: {  	s24 =	simm.s32 $0x6;
	s1 =	sand.u32 $0x1, s1;
	s4 =	sshll.u32 s3, $0x1;
	v0 =	vmul.u32 $0x88, v0  }
0x8: {  	vm0 =	vcmask $0x3F20;
	s25 =	simm.s32 $0x0;
	s26 =	simm.s32 $0x0;
	s5 =	sor.u32 s1, s4  }
0x9: {  	s3 =	rddreg [dreg:$0x2];
	s4 =	simm.s32 $0x0;
	s8 =	smul.u32 $0x1900, s5;
	v1 =	vadd.s32 $0x880, v0  }
0xa: {  	s6 =	sadd.s32 $0x1256A00, s0;
	s1 =	ssub.s32 $0x2, s1;
	[smem:$0x7FF] =	sst s4;
	v2 =	vadd.s32 $0x1100, v0;
	v3 =	vadd.s32 $0x1980, v0;
	v4 =	vadd.s32 $0x2200, v0  }
0xb: {  	s9 =	sshrl.u32 s1, $0x1;
	v5 =	vadd.s32 $0x2A80, v0;
	v6 =	vadd.s32 $0x3300, v0;
	v7 =	vadd.s32 $0x3B80, v0;
	_ =	strace $0x8000004D;
	s5 =	sshrl.u32 s8, $0x3  }
0xc: {  	v8 =	vadd.s32 $0x4400, v0;
	v9 =	vadd.s32 $0x4C80, v0;
	v10 =	vadd.s32 $0x5500, v0;
	s31 =	ssub.s32 s1, s9;
	s8 =	sshrl.u32 s8, $0x7;
	s7 =	sadd.s32 s5, s0  }
0xd: {  	v11 =	vadd.s32 $0x5D80, v0;
	v12 =	vadd.s32 $0x61C0, v0;
	s9 =	smax.u32 s31, $0x1;
	s5 =	sadd.s32 $0xC35E00, s0;
	s7 =	sadd.s32 $0x1250600, s7  }
.LBB2_1:
0xe: {  	[tilespmem:s4], [sflag:$0x7] =	stream.linear.gather [hbm4b:s7+s4], $0x1900, $0x38;
	[tilespmem:$0x16440] =	vst v63  }
0xf: {  	_ =	swait.ge [sflag:s10], $0x1900  }
0x10: {  	s0 =	simm.s32 $0x200;
	[sflag:s10] =	ssyncset.done $0x0  }
0x11: {  	s1 =	simm.s32 $0x0;
	s14 =	simm.s32 $0x1900;
	[sflag:s10] =	ssyncadd.s32 $0xFFFFE700  }
.LBB2_2:
0x12: {  	[tilespmem:s14], [sflag:$0x1] =	stream.indirect.gather [hbm4b:s2+s11], $0x1, s1, s11, $0xb8;
	[tilespmem:$0x16440] =	vst v63  }
0x13: {  	s1 =	smov.u32 s0;
	p0 =	sne.s32 s0, $0x6200  }
.Ltmp0:
0x14: {  	s0 =	sadd.s32 $0x200, s0;
	(pc) =	sbr.rel @p0 .LBB2_2-.Ltmp0, $3  }
0x15: {  	_ =	sdelay $0x1  }
0x16: {  	s1 =	sshra.s32 s1, $0x2  }
0x17: {  	s14 =	sadd.s32 $0x1900, s1  }
0x18: {  	[tilespmem:s14], [sflag:$0x1] =	stream.indirect.gather [hbm4b:s2+s11], $0x1, s1, s11, $0xb8;
	[tilespmem:$0x16440] =	vst v63  }
0x19: {  	_ =	swait.ge [sflag:s12], $0x1900  }
0x1a: {  	[sflag:s12] =	ssyncset.done $0x0  }
0x1b: {  	s0 =	simm.s32 $0x3200;
	[sflag:s12] =	ssyncadd.s32 $0xFFFFE700  }
0x1c: {  	[tilespmem:s0], [sflag:$0x2] =	stream.indirect.gather [hbm4b:s5+s11], $0x80, s13, s11, $0xb8;
	[tilespmem:$0x16440] =	vst v63  }
0x1d: {  	s30 =	simm.s32 $0xB200  }
0x1e: {  	[tilespmem:s30], [sflag:$0x4] =	stream.indirect.gather [hbm4b:s6+s11], $0x48, s13, s11, $0xb8;
	[tilespmem:$0x16440] =	vst v63  }
0x1f: {  	s31 =	simm.s32 $0x7200  }
0x20: {  	[tilespmem:s31], [sflag:$0x3] =	stream.indirect.gather [hbm4b:s5+s11], $0x80, s16, s11, $0xb8;
	[tilespmem:$0x16440] =	vst v63  }
0x21: {  	s28 =	simm.s32 $0x0  }
0x22: {  	[tilespmem:s18], [sflag:$0x5] =	stream.indirect.gather [hbm4b:s6+s11], $0x48, s16, s11, $0xb8;
	[tilespmem:$0x16440] =	vst v63  }
.LBB2_4:
0x23: {  	_ =	swait.ge [sflag:s19], $0x4000  }
0x24: {  	[sflag:s19] =	ssyncset.done $0x0  }
0x25: {  	[sflag:s19] =	ssyncadd.s32 $0xFFFFC000  }
0x26: {  	_ =	swait.ge [sflag:s20], $0x2400  }
0x27: {  	p0 =	seq.s32 s28, $0x0;
	[sflag:s20] =	ssyncset.done $0x0  }
0x28: {  	s0 =	simm.s32 @!p0 $0x6;
	[sflag:s20] =	ssyncadd.s32 $0xFFFFDC00  }
0x29: {  	_ =	swait.ge @!p0 [sflag:s0], $0x6400  }
0x2a: {  	v13 =	vmov s26;
	[sflag:s0] =	ssyncset.done @!p0 $0x0  }
0x2b: {  	s30 =	simm.s32 $0x3240;
	v14 =	vand.u32 $0x7F, v13;
	[sflag:s0] =	ssyncadd.s32 @!p0 $0xFFFF9C00  }
0x2c: {  	v15 =	vadd.s32 v0, v14;
	v13 =	vld [tilespmem:s30+$0xFFFFFFC0];
	_ =	sdelay $0x4  }
0x2d: {  	[tilespmem:v15+s21+$0x0] =	vst.idx.msk $0xffff, v13  }
0x2e: {  	v15 =	vadd.s32 v1, v14;
	v13 =	vld [tilespmem:s30+$0xFFFFFFD0];
	_ =	sdelay $0x4  }
0x2f: {  	[tilespmem:v15+s21+$0x0] =	vst.idx.msk $0xffff, v13  }
0x30: {  	v15 =	vadd.s32 v2, v14;
	v13 =	vld [tilespmem:s30+$0xFFFFFFE0];
	_ =	sdelay $0x4  }
0x31: {  	[tilespmem:v15+s21+$0x0] =	vst.idx.msk $0xffff, v13  }
0x32: {  	v15 =	vadd.s32 v3, v14;
	v13 =	vld [tilespmem:s30+$0xFFFFFFF0];
	_ =	sdelay $0x4  }
0x33: {  	[tilespmem:v15+s21+$0x0] =	vst.idx.msk $0xffff, v13  }
0x34: {  	v15 =	vadd.s32 v4, v14;
	v13 =	vld [tilespmem:s30+$0x0];
	_ =	sdelay $0x4  }
0x35: {  	[tilespmem:v15+s21+$0x0] =	vst.idx.msk $0xffff, v13  }
0x36: {  	v15 =	vadd.s32 v5, v14;
	v13 =	vld [tilespmem:s30+$0x10];
	_ =	sdelay $0x4  }
0x37: {  	[tilespmem:v15+s21+$0x0] =	vst.idx.msk $0xffff, v13  }
0x38: {  	v15 =	vadd.s32 v6, v14;
	v13 =	vld [tilespmem:s30+$0x20];
	_ =	sdelay $0x4  }
0x39: {  	[tilespmem:v15+s21+$0x0] =	vst.idx.msk $0xffff, v13  }
0x3a: {  	v15 =	vadd.s32 v7, v14;
	v13 =	vld [tilespmem:s30+$0x30];
	_ =	sdelay $0x4  }
0x3b: {  	s0 =	simm.s32 $0xB220;
	[tilespmem:v15+s21+$0x0] =	vst.idx.msk $0xffff, v13  }
0x3c: {  	v15 =	vadd.s32 v8, v14;
	v13 =	vld [tilespmem:s0+$0xFFFFFFE0];
	_ =	sdelay $0x4  }
0x3d: {  	[tilespmem:v15+s21+$0x0] =	vst.idx.msk $0xffff, v13  }
0x3e: {  	v15 =	vadd.s32 v9, v14;
	v13 =	vld [tilespmem:s0+$0xFFFFFFF0];
	_ =	sdelay $0x4  }
0x3f: {  	[tilespmem:v15+s21+$0x0] =	vst.idx.msk $0xffff, v13  }
0x40: {  	v15 =	vadd.s32 v10, v14;
	v13 =	vld [tilespmem:s0+$0x0];
	_ =	sdelay $0x4  }
0x41: {  	[tilespmem:v15+s21+$0x0] =	vst.idx.msk $0xffff, v13  }
0x42: {  	v15 =	vadd.s32 v11, v14;
	v13 =	vld [tilespmem:s0+$0x10];
	_ =	sdelay $0x4  }
0x43: {  	[tilespmem:v15+s21+$0x0] =	vst.idx.msk $0xffff, v13  }
0x44: {  	v14 =	vadd.s32 v12, v14;
	v13 =	vld [tilespmem:s0+$0x18];
	_ =	sdelay $0x1  }
0x45: {  	s29 =	sshll.u32 s28, $0x1  }
0x46: {  	s14 =	simm.s32 $0x1;
	s31 =	sadd.s32 s8, s29  }
0x47: {  	s1 =	sshrl.u32 s31, $0x3;
	v15 =	vmov s14;
	s14 =	simm.s32 $0x2  }
.LBB2_5:
0x48: {  	p0 =	sne.s32 s14, $0x7F;
	v15 =	vand.u32 $0x7F, v15;
	[tilespmem:v14+s21+$0x0] =	vst.idx.msk vm0, v13;
	s30 =	sadd.s32 $0x80, s30  }
0x49: {  	v13 =	vld [tilespmem:s30+$0xFFFFFFC0];
	v14 =	vadd.s32 v0, v15;
	_ =	sdelay $0x4  }
0x4a: {  	[tilespmem:v14+s21+$0x0] =	vst.idx.msk $0xffff, v13  }
0x4b: {  	v14 =	vadd.s32 v1, v15;
	v13 =	vld [tilespmem:s30+$0xFFFFFFD0];
	_ =	sdelay $0x4  }
0x4c: {  	[tilespmem:v14+s21+$0x0] =	vst.idx.msk $0xffff, v13  }
0x4d: {  	v14 =	vadd.s32 v2, v15;
	v13 =	vld [tilespmem:s30+$0xFFFFFFE0];
	_ =	sdelay $0x4  }
0x4e: {  	[tilespmem:v14+s21+$0x0] =	vst.idx.msk $0xffff, v13  }
0x4f: {  	v14 =	vadd.s32 v3, v15;
	v13 =	vld [tilespmem:s30+$0xFFFFFFF0];
	_ =	sdelay $0x4  }
0x50: {  	[tilespmem:v14+s21+$0x0] =	vst.idx.msk $0xffff, v13  }
0x51: {  	v14 =	vadd.s32 v4, v15;
	v13 =	vld [tilespmem:s30+$0x0];
	_ =	sdelay $0x4  }
0x52: {  	[tilespmem:v14+s21+$0x0] =	vst.idx.msk $0xffff, v13  }
0x53: {  	v14 =	vadd.s32 v5, v15;
	v13 =	vld [tilespmem:s30+$0x10];
	_ =	sdelay $0x4  }
0x54: {  	[tilespmem:v14+s21+$0x0] =	vst.idx.msk $0xffff, v13  }
0x55: {  	v14 =	vadd.s32 v6, v15;
	v13 =	vld [tilespmem:s30+$0x20];
	_ =	sdelay $0x4  }
0x56: {  	[tilespmem:v14+s21+$0x0] =	vst.idx.msk $0xffff, v13  }
0x57: {  	v14 =	vadd.s32 v7, v15;
	v13 =	vld [tilespmem:s30+$0x30];
	_ =	sdelay $0x4  }
0x58: {  	s0 =	sadd.s32 $0x48, s0;
	[tilespmem:v14+s21+$0x0] =	vst.idx.msk $0xffff, v13  }
0x59: {  	v14 =	vadd.s32 v8, v15;
	v13 =	vld [tilespmem:s0+$0xFFFFFFE0];
	_ =	sdelay $0x4  }
0x5a: {  	[tilespmem:v14+s21+$0x0] =	vst.idx.msk $0xffff, v13  }
0x5b: {  	v14 =	vadd.s32 v9, v15;
	v13 =	vld [tilespmem:s0+$0xFFFFFFF0];
	_ =	sdelay $0x4  }
0x5c: {  	[tilespmem:v14+s21+$0x0] =	vst.idx.msk $0xffff, v13  }
0x5d: {  	v14 =	vadd.s32 v10, v15;
	v13 =	vld [tilespmem:s0+$0x0];
	_ =	sdelay $0x4  }
0x5e: {  	[tilespmem:v14+s21+$0x0] =	vst.idx.msk $0xffff, v13  }
0x5f: {  	v14 =	vadd.s32 v11, v15;
	v13 =	vld [tilespmem:s0+$0x10];
	_ =	sdelay $0x4  }
0x60: {  	[tilespmem:v14+s21+$0x0] =	vst.idx.msk $0xffff, v13  }
.Ltmp1:
0x61: {  	v14 =	vadd.s32 v12, v15;
	v13 =	vld [tilespmem:s0+$0x18];
	(pc) =	sbr.rel @p0 .LBB2_5-.Ltmp1, $2  }
0x62: {  	_ =	sdelay $0x2  }
0x63: {  	v15 =	vmov s14;
	s14 =	sadd.s32 $0x1, s14  }
0x64: {  	_ =	sdelay $0x4  }
0x65: {  	v15 =	vand.u32 $0x7F, v15;
	[tilespmem:v14+s21+$0x0] =	vst.idx.msk vm0, v13;
	s14 =	sadd.s32 $0x80, s30  }
0x66: {  	v13 =	vld [tilespmem:s14+$0xFFFFFFC0];
	v14 =	vadd.s32 v0, v15;
	_ =	sdelay $0x4  }
0x67: {  	[tilespmem:v14+s21+$0x0] =	vst.idx.msk $0xffff, v13  }
0x68: {  	v14 =	vadd.s32 v1, v15;
	v13 =	vld [tilespmem:s14+$0xFFFFFFD0];
	_ =	sdelay $0x4  }
0x69: {  	[tilespmem:v14+s21+$0x0] =	vst.idx.msk $0xffff, v13  }
0x6a: {  	v14 =	vadd.s32 v2, v15;
	v13 =	vld [tilespmem:s14+$0xFFFFFFE0];
	_ =	sdelay $0x4  }
0x6b: {  	[tilespmem:v14+s21+$0x0] =	vst.idx.msk $0xffff, v13  }
0x6c: {  	v14 =	vadd.s32 v3, v15;
	v13 =	vld [tilespmem:s14+$0xFFFFFFF0];
	_ =	sdelay $0x4  }
0x6d: {  	[tilespmem:v14+s21+$0x0] =	vst.idx.msk $0xffff, v13  }
0x6e: {  	v14 =	vadd.s32 v4, v15;
	v13 =	vld [tilespmem:s14+$0x0];
	_ =	sdelay $0x4  }
0x6f: {  	[tilespmem:v14+s21+$0x0] =	vst.idx.msk $0xffff, v13  }
0x70: {  	v14 =	vadd.s32 v5, v15;
	v13 =	vld [tilespmem:s14+$0x10];
	_ =	sdelay $0x4  }
0x71: {  	[tilespmem:v14+s21+$0x0] =	vst.idx.msk $0xffff, v13  }
0x72: {  	v14 =	vadd.s32 v6, v15;
	v13 =	vld [tilespmem:s14+$0x20];
	_ =	sdelay $0x4  }
0x73: {  	[tilespmem:v14+s21+$0x0] =	vst.idx.msk $0xffff, v13  }
0x74: {  	v14 =	vadd.s32 v7, v15;
	v13 =	vld [tilespmem:s14+$0x30];
	_ =	sdelay $0x4  }
0x75: {  	s0 =	sadd.s32 $0x48, s0;
	[tilespmem:v14+s21+$0x0] =	vst.idx.msk $0xffff, v13  }
0x76: {  	v14 =	vadd.s32 v8, v15;
	v13 =	vld [tilespmem:s0+$0xFFFFFFE0];
	_ =	sdelay $0x4  }
0x77: {  	[tilespmem:v14+s21+$0x0] =	vst.idx.msk $0xffff, v13  }
0x78: {  	v14 =	vadd.s32 v9, v15;
	v13 =	vld [tilespmem:s0+$0xFFFFFFF0];
	_ =	sdelay $0x4  }
0x79: {  	[tilespmem:v14+s21+$0x0] =	vst.idx.msk $0xffff, v13  }
0x7a: {  	v14 =	vadd.s32 v10, v15;
	v13 =	vld [tilespmem:s0+$0x0];
	_ =	sdelay $0x4  }
0x7b: {  	[tilespmem:v14+s21+$0x0] =	vst.idx.msk $0xffff, v13  }
0x7c: {  	v14 =	vadd.s32 v11, v15;
	v13 =	vld [tilespmem:s0+$0x10];
	_ =	sdelay $0x4  }
0x7d: {  	[tilespmem:v14+s21+$0x0] =	vst.idx.msk $0xffff, v13  }
0x7e: {  	v14 =	vadd.s32 v12, v15;
	v13 =	vld [tilespmem:s0+$0x18];
	_ =	sdelay $0x1  }
0x7f: {  	p0 =	seq.s32 s28, $0x18  }
0x80: {  	s0 =	sshll.u32 @!p0 s28, $0x8  }
0x81: {  	s30 =	sand.u32 @!p0 $0x3FFFFF00, s0  }
0x82: {  	s15 =	simm.s32 @!p0 $0x3200;
	s14 =	simm.s32 @!p0 $0x80;
	s0 =	sadd.s32 @!p0 $0x1A00, s30;
	[tilespmem:v14+s21+$0x0] =	vst.idx.msk vm0, v13  }
0x83: {  	[tilespmem:s15], [sflag:$0x2] =	stream.indirect.gather @!p0 [hbm4b:s5+s14], $0x80, s0, s14, $0xb8;
	[tilespmem:$0x16440] =	vst v63  }
0x84: {  	s15 =	simm.s32 @!p0 $0xB200  }
0x85: {  	[tilespmem:s15], [sflag:$0x4] =	stream.indirect.gather @!p0 [hbm4b:s6+s14], $0x48, s0, s14, $0xb8;
	[tilespmem:$0x16440] =	vst v63  }
0x86: {  	s17 =	sshll.u32 s1, $0xD;
	s0 =	smul.u32 $0x32000, s1;
	s15 =	sshll.u32 s31, $0xA  }
0x87: {  	s1 =	ssub.s32 s15, s17  }
0x88: {  	s0 =	sadd.s32 s0, s1  }
0x89: {  	s0 =	sshrl.u32 s0, $0x3  }
0x8a: {  	s14 =	simm.s32 $0xFA00;
	s1 =	sadd.s32 s3, s0  }
0x8b: {  	[hbm4b:s1+s4] =	stream.linear.scatter [tilespmem:s14], [sflag:$0x6], $0x80, $0x38;
	[tilespmem:$0x16440] =	vst v63  }
0x8c: {  	s15 =	simm.s32 $0xFA88;
	s17 =	sadd.s32 $0x10, s1  }
0x8d: {  	[hbm4b:s17+s4] =	stream.linear.scatter [tilespmem:s15], [sflag:$0x6], $0x80, $0x38;
	[tilespmem:$0x16440] =	vst v63  }
0x8e: {  	s15 =	simm.s32 $0xFB10;
	s17 =	sadd.s32 $0x20, s1  }
0x8f: {  	[hbm4b:s17+s4] =	stream.linear.scatter [tilespmem:s15], [sflag:$0x6], $0x80, $0x38;
	[tilespmem:$0x16440] =	vst v63  }
0x90: {  	s15 =	simm.s32 $0xFB98;
	s17 =	sadd.s32 $0x30, s1  }
0x91: {  	[hbm4b:s17+s4] =	stream.linear.scatter [tilespmem:s15], [sflag:$0x6], $0x80, $0x38;
	[tilespmem:$0x16440] =	vst v63  }
0x92: {  	s15 =	simm.s32 $0xFC20;
	s17 =	sadd.s32 $0x40, s1  }
0x93: {  	[hbm4b:s17+s4] =	stream.linear.scatter [tilespmem:s15], [sflag:$0x6], $0x80, $0x38;
	[tilespmem:$0x16440] =	vst v63  }
0x94: {  	s0 =	simm.s32 $0x440;
	s15 =	simm.s32 $0xFCA8;
	s17 =	sadd.s32 $0x50, s1  }
0x95: {  	[hbm4b:s17+s4] =	stream.linear.scatter [tilespmem:s15], [sflag:$0x6], $0x80, $0x38;
	[tilespmem:$0x16440] =	vst v63  }
0x96: {  	s14 =	simm.s32 $0x2200;
	s15 =	simm.s32 $0xFD30;
	s17 =	sadd.s32 $0x60, s1  }
0x97: {  	[hbm4b:s17+s4] =	stream.linear.scatter [tilespmem:s15], [sflag:$0x6], $0x80, $0x38;
	[tilespmem:$0x16440] =	vst v63  }
0x98: {  	s31 =	sadd.s32 $0x70, s1;
	s1 =	sadd.s32 $0x400, s1;
	s15 =	simm.s32 $0xFDB8  }
.LBB2_7:
0x99: {  	[hbm4b:s31+s4] =	stream.linear.scatter [tilespmem:s15], [sflag:$0x6], $0x80, $0x38;
	[tilespmem:$0x16440] =	vst v63  }
0x9a: {  	s15 =	smov.u32 s0;
	s0 =	smov.u32 s14  }
0x9b: {  	s17 =	sadd.s32 $0x1100, s14;
	s0 =	sshra.s32 s0, $0x2;
	s31 =	sadd.s32 $0xFA00, s15  }
0x9c: {  	[hbm4b:s1+s4] =	stream.linear.scatter [tilespmem:s31], [sflag:$0x6], $0x80, $0x38;
	[tilespmem:$0x16440] =	vst v63  }
0x9d: {  	p1 =	sne.s32 s14, $0x19800;
	s14 =	sadd.s32 $0xFA88, s15;
	s31 =	sadd.s32 $0x10, s1  }
0x9e: {  	[hbm4b:s31+s4] =	stream.linear.scatter [tilespmem:s14], [sflag:$0x6], $0x80, $0x38;
	[tilespmem:$0x16440] =	vst v63  }
0x9f: {  	s14 =	sadd.s32 $0xFB10, s15;
	s31 =	sadd.s32 $0x20, s1  }
0xa0: {  	[hbm4b:s31+s4] =	stream.linear.scatter [tilespmem:s14], [sflag:$0x6], $0x80, $0x38;
	[tilespmem:$0x16440] =	vst v63  }
0xa1: {  	s14 =	sadd.s32 $0xFB98, s15;
	s31 =	sadd.s32 $0x30, s1  }
0xa2: {  	[hbm4b:s31+s4] =	stream.linear.scatter [tilespmem:s14], [sflag:$0x6], $0x80, $0x38;
	[tilespmem:$0x16440] =	vst v63  }
0xa3: {  	s14 =	sadd.s32 $0xFC20, s15;
	s31 =	sadd.s32 $0x40, s1  }
0xa4: {  	[hbm4b:s31+s4] =	stream.linear.scatter [tilespmem:s14], [sflag:$0x6], $0x80, $0x38;
	[tilespmem:$0x16440] =	vst v63  }
.Ltmp2:
0xa5: {  	s14 =	sadd.s32 $0xFCA8, s15;
	s31 =	sadd.s32 $0x50, s1;
	(pc) =	sbr.rel @p1 .LBB2_7-.Ltmp2, $4  }
0xa6: {  	[hbm4b:s31+s4] =	stream.linear.scatter [tilespmem:s14], [sflag:$0x6], $0x80, $0x38;
	[tilespmem:$0x16440] =	vst v63  }
0xa7: {  	s14 =	sadd.s32 $0xFD30, s15;
	s31 =	sadd.s32 $0x60, s1;
	s15 =	sadd.s32 $0xFDB8, s15  }
0xa8: {  	[hbm4b:s31+s4] =	stream.linear.scatter [tilespmem:s14], [sflag:$0x6], $0x80, $0x38;
	[tilespmem:$0x16440] =	vst v63  }
0xa9: {  	s31 =	sadd.s32 $0x70, s1;
	s1 =	sadd.s32 $0x400, s1;
	s14 =	smov.u32 s17  }
0xaa: {  	[hbm4b:s31+s4] =	stream.linear.scatter [tilespmem:s15], [sflag:$0x6], $0x80, $0x38;
	[tilespmem:$0x16440] =	vst v63  }
0xab: {  	s14 =	sadd.s32 $0xFA00, s0  }
0xac: {  	[hbm4b:s1+s4] =	stream.linear.scatter [tilespmem:s14], [sflag:$0x6], $0x80, $0x38;
	[tilespmem:$0x16440] =	vst v63  }
0xad: {  	s15 =	sadd.s32 $0xFA88, s0;
	s17 =	sadd.s32 $0x10, s1  }
0xae: {  	[hbm4b:s17+s4] =	stream.linear.scatter [tilespmem:s15], [sflag:$0x6], $0x80, $0x38;
	[tilespmem:$0x16440] =	vst v63  }
0xaf: {  	s15 =	sadd.s32 $0xFB10, s0;
	s17 =	sadd.s32 $0x20, s1  }
0xb0: {  	[hbm4b:s17+s4] =	stream.linear.scatter [tilespmem:s15], [sflag:$0x6], $0x80, $0x38;
	[tilespmem:$0x16440] =	vst v63  }
0xb1: {  	s15 =	sadd.s32 $0xFB98, s0;
	s17 =	sadd.s32 $0x30, s1  }
0xb2: {  	[hbm4b:s17+s4] =	stream.linear.scatter [tilespmem:s15], [sflag:$0x6], $0x80, $0x38;
	[tilespmem:$0x16440] =	vst v63  }
0xb3: {  	s15 =	sadd.s32 $0xFC20, s0;
	s17 =	sadd.s32 $0x40, s1  }
0xb4: {  	[hbm4b:s17+s4] =	stream.linear.scatter [tilespmem:s15], [sflag:$0x6], $0x80, $0x38;
	[tilespmem:$0x16440] =	vst v63  }
0xb5: {  	s15 =	sadd.s32 $0xFCA8, s0;
	s17 =	sadd.s32 $0x50, s1  }
0xb6: {  	[hbm4b:s17+s4] =	stream.linear.scatter [tilespmem:s15], [sflag:$0x6], $0x80, $0x38;
	[tilespmem:$0x16440] =	vst v63  }
0xb7: {  	s15 =	sadd.s32 $0xFD30, s0;
	s17 =	sadd.s32 $0x60, s1  }
0xb8: {  	[hbm4b:s17+s4] =	stream.linear.scatter [tilespmem:s15], [sflag:$0x6], $0x80, $0x38;
	[tilespmem:$0x16440] =	vst v63  }
0xb9: {  	s14 =	sadd.s32 $0x70, s1;
	s17 =	sadd.s32 $0xFDB8, s0  }
0xba: {  	[hbm4b:s14+s4] =	stream.linear.scatter [tilespmem:s17], [sflag:$0x6], $0x80, $0x38;
	[tilespmem:$0x16440] =	vst v63  }
0xbb: {  	_ =	swait.ge [sflag:s22], $0x4000  }
0xbc: {  	[sflag:s22] =	ssyncset.done $0x0  }
0xbd: {  	[sflag:s22] =	ssyncadd.s32 $0xFFFFC000  }
0xbe: {  	_ =	swait.ge [sflag:s23], $0x2400  }
0xbf: {  	[sflag:s23] =	ssyncset.done $0x0  }
0xc0: {  	[sflag:s23] =	ssyncadd.s32 $0xFFFFDC00  }
0xc1: {  	s15 =	simm.s32 $0x0;
	_ =	swait.ge [sflag:s24], $0x6400  }
0xc2: {  	v13 =	vmov s15;
	[sflag:s24] =	ssyncset.done $0x0  }
0xc3: {  	s17 =	simm.s32 $0x0;
	v14 =	vand.u32 $0x7F, v13;
	[sflag:s24] =	ssyncadd.s32 $0xFFFF9C00  }
0xc4: {  	v15 =	vadd.s32 v0, v14;
	v13 =	vld [tilespmem:s17+$0x7200];
	_ =	sdelay $0x4  }
0xc5: {  	[tilespmem:v15+s21+$0x0] =	vst.idx.msk $0xffff, v13  }
0xc6: {  	v15 =	vadd.s32 v1, v14;
	v13 =	vld [tilespmem:s17+$0x7210];
	_ =	sdelay $0x4  }
0xc7: {  	[tilespmem:v15+s21+$0x0] =	vst.idx.msk $0xffff, v13  }
0xc8: {  	v15 =	vadd.s32 v2, v14;
	v13 =	vld [tilespmem:s17+$0x7220];
	_ =	sdelay $0x4  }
0xc9: {  	[tilespmem:v15+s21+$0x0] =	vst.idx.msk $0xffff, v13  }
0xca: {  	v15 =	vadd.s32 v3, v14;
	v13 =	vld [tilespmem:s17+$0x7230];
	_ =	sdelay $0x4  }
0xcb: {  	[tilespmem:v15+s21+$0x0] =	vst.idx.msk $0xffff, v13  }
0xcc: {  	v15 =	vadd.s32 v4, v14;
	v13 =	vld [tilespmem:s17+$0x7240];
	_ =	sdelay $0x4  }
0xcd: {  	[tilespmem:v15+s21+$0x0] =	vst.idx.msk $0xffff, v13  }
0xce: {  	v15 =	vadd.s32 v5, v14;
	v13 =	vld [tilespmem:s17+$0x7250];
	_ =	sdelay $0x4  }
0xcf: {  	[tilespmem:v15+s21+$0x0] =	vst.idx.msk $0xffff, v13  }
0xd0: {  	v15 =	vadd.s32 v6, v14;
	v13 =	vld [tilespmem:s17+$0x7260];
	_ =	sdelay $0x4  }
0xd1: {  	[tilespmem:v15+s21+$0x0] =	vst.idx.msk $0xffff, v13  }
0xd2: {  	v15 =	vadd.s32 v7, v14;
	v13 =	vld [tilespmem:s17+$0x7270];
	_ =	sdelay $0x4  }
0xd3: {  	s0 =	simm.s32 $0xD638;
	[tilespmem:v15+s21+$0x0] =	vst.idx.msk $0xffff, v13  }
0xd4: {  	v15 =	vadd.s32 v8, v14;
	v13 =	vld [tilespmem:s0+$0xFFFFFFC8];
	_ =	sdelay $0x4  }
0xd5: {  	[tilespmem:v15+s21+$0x0] =	vst.idx.msk $0xffff, v13  }
0xd6: {  	v15 =	vadd.s32 v9, v14;
	v13 =	vld [tilespmem:s0+$0xFFFFFFD8];
	_ =	sdelay $0x4  }
0xd7: {  	[tilespmem:v15+s21+$0x0] =	vst.idx.msk $0xffff, v13  }
0xd8: {  	v15 =	vadd.s32 v10, v14;
	v13 =	vld [tilespmem:s0+$0xFFFFFFE8];
	_ =	sdelay $0x4  }
0xd9: {  	[tilespmem:v15+s21+$0x0] =	vst.idx.msk $0xffff, v13  }
0xda: {  	v15 =	vadd.s32 v11, v14;
	v13 =	vld [tilespmem:s0+$0xFFFFFFF8];
	_ =	sdelay $0x4  }
0xdb: {  	[tilespmem:v15+s21+$0x0] =	vst.idx.msk $0xffff, v13  }
0xdc: {  	v14 =	vadd.s32 v12, v14;
	v13 =	vld [tilespmem:s0+$0x0];
	_ =	sdelay $0x2  }
0xdd: {  	s1 =	simm.s32 $0x1  }
0xde: {  	s31 =	simm.s32 $0x200;
	s14 =	simm.s32 $0x400;
	v15 =	vmov s1  }
.LBB2_9:
0xdf: {  	p1 =	sne.s32 s14, $0xFE00;
	s15 =	sshra.s32 s31, $0x2;
	v15 =	vand.u32 $0x7F, v15;
	[tilespmem:v14+s21+$0x0] =	vst.idx.msk vm0, v13;
	s31 =	smov.u32 s14  }
0xe0: {  	v13 =	vld [tilespmem:s15+$0x7200];
	v14 =	vadd.s32 v0, v15;
	_ =	sdelay $0x4  }
0xe1: {  	[tilespmem:v14+s21+$0x0] =	vst.idx.msk $0xffff, v13  }
0xe2: {  	v14 =	vadd.s32 v1, v15;
	v13 =	vld [tilespmem:s15+$0x7210];
	_ =	sdelay $0x4  }
0xe3: {  	[tilespmem:v14+s21+$0x0] =	vst.idx.msk $0xffff, v13  }
0xe4: {  	v14 =	vadd.s32 v2, v15;
	v13 =	vld [tilespmem:s15+$0x7220];
	_ =	sdelay $0x4  }
0xe5: {  	[tilespmem:v14+s21+$0x0] =	vst.idx.msk $0xffff, v13  }
0xe6: {  	v14 =	vadd.s32 v3, v15;
	v13 =	vld [tilespmem:s15+$0x7230];
	_ =	sdelay $0x4  }
0xe7: {  	[tilespmem:v14+s21+$0x0] =	vst.idx.msk $0xffff, v13  }
0xe8: {  	v14 =	vadd.s32 v4, v15;
	v13 =	vld [tilespmem:s15+$0x7240];
	_ =	sdelay $0x4  }
0xe9: {  	[tilespmem:v14+s21+$0x0] =	vst.idx.msk $0xffff, v13  }
0xea: {  	v14 =	vadd.s32 v5, v15;
	v13 =	vld [tilespmem:s15+$0x7250];
	_ =	sdelay $0x4  }
0xeb: {  	[tilespmem:v14+s21+$0x0] =	vst.idx.msk $0xffff, v13  }
0xec: {  	v14 =	vadd.s32 v6, v15;
	v13 =	vld [tilespmem:s15+$0x7260];
	_ =	sdelay $0x4  }
0xed: {  	[tilespmem:v14+s21+$0x0] =	vst.idx.msk $0xffff, v13  }
0xee: {  	v14 =	vadd.s32 v7, v15;
	v13 =	vld [tilespmem:s15+$0x7270];
	_ =	sdelay $0x4  }
0xef: {  	s0 =	sadd.s32 $0x48, s0;
	[tilespmem:v14+s21+$0x0] =	vst.idx.msk $0xffff, v13  }
0xf0: {  	v14 =	vadd.s32 v8, v15;
	v13 =	vld [tilespmem:s0+$0xFFFFFFC8];
	_ =	sdelay $0x4  }
0xf1: {  	[tilespmem:v14+s21+$0x0] =	vst.idx.msk $0xffff, v13  }
0xf2: {  	v14 =	vadd.s32 v9, v15;
	v13 =	vld [tilespmem:s0+$0xFFFFFFD8];
	_ =	sdelay $0x4  }
0xf3: {  	[tilespmem:v14+s21+$0x0] =	vst.idx.msk $0xffff, v13  }
0xf4: {  	v14 =	vadd.s32 v10, v15;
	v13 =	vld [tilespmem:s0+$0xFFFFFFE8];
	_ =	sdelay $0x4  }
0xf5: {  	[tilespmem:v14+s21+$0x0] =	vst.idx.msk $0xffff, v13  }
0xf6: {  	v14 =	vadd.s32 v11, v15;
	v13 =	vld [tilespmem:s0+$0xFFFFFFF8];
	_ =	sdelay $0x4  }
0xf7: {  	[tilespmem:v14+s21+$0x0] =	vst.idx.msk $0xffff, v13  }
.Ltmp3:
0xf8: {  	v14 =	vadd.s32 v12, v15;
	v13 =	vld [tilespmem:s0+$0x0];
	(pc) =	sbr.rel @p1 .LBB2_9-.Ltmp3, $3  }
0xf9: {  	_ =	sdelay $0x1  }
0xfa: {  	s1 =	sadd.s32 $0x1, s1  }
0xfb: {  	s14 =	sadd.s32 $0x200, s14;
	v15 =	vmov s1  }
0xfc: {  	_ =	sdelay $0x4  }
0xfd: {  	s1 =	sshra.s32 s31, $0x2;
	v15 =	vand.u32 $0x7F, v15;
	[tilespmem:v14+s21+$0x0] =	vst.idx.msk vm0, v13  }
0xfe: {  	v13 =	vld [tilespmem:s1+$0x7200];
	v14 =	vadd.s32 v0, v15;
	_ =	sdelay $0x4  }
0xff: {  	[tilespmem:v14+s21+$0x0] =	vst.idx.msk $0xffff, v13  }
0x100: {  	v14 =	vadd.s32 v1, v15;
	v13 =	vld [tilespmem:s1+$0x7210];
	_ =	sdelay $0x4  }
0x101: {  	[tilespmem:v14+s21+$0x0] =	vst.idx.msk $0xffff, v13  }
0x102: {  	v14 =	vadd.s32 v2, v15;
	v13 =	vld [tilespmem:s1+$0x7220];
	_ =	sdelay $0x4  }
0x103: {  	[tilespmem:v14+s21+$0x0] =	vst.idx.msk $0xffff, v13  }
0x104: {  	v14 =	vadd.s32 v3, v15;
	v13 =	vld [tilespmem:s1+$0x7230];
	_ =	sdelay $0x4  }
0x105: {  	[tilespmem:v14+s21+$0x0] =	vst.idx.msk $0xffff, v13  }
0x106: {  	v14 =	vadd.s32 v4, v15;
	v13 =	vld [tilespmem:s1+$0x7240];
	_ =	sdelay $0x4  }
0x107: {  	[tilespmem:v14+s21+$0x0] =	vst.idx.msk $0xffff, v13  }
0x108: {  	v14 =	vadd.s32 v5, v15;
	v13 =	vld [tilespmem:s1+$0x7250];
	_ =	sdelay $0x4  }
0x109: {  	[tilespmem:v14+s21+$0x0] =	vst.idx.msk $0xffff, v13  }
0x10a: {  	v14 =	vadd.s32 v6, v15;
	v13 =	vld [tilespmem:s1+$0x7260];
	_ =	sdelay $0x4  }
0x10b: {  	[tilespmem:v14+s21+$0x0] =	vst.idx.msk $0xffff, v13  }
0x10c: {  	v14 =	vadd.s32 v7, v15;
	v13 =	vld [tilespmem:s1+$0x7270];
	_ =	sdelay $0x4  }
0x10d: {  	s0 =	sadd.s32 $0x48, s0;
	[tilespmem:v14+s21+$0x0] =	vst.idx.msk $0xffff, v13  }
0x10e: {  	v14 =	vadd.s32 v8, v15;
	v13 =	vld [tilespmem:s0+$0xFFFFFFC8];
	_ =	sdelay $0x4  }
0x10f: {  	[tilespmem:v14+s21+$0x0] =	vst.idx.msk $0xffff, v13  }
0x110: {  	v14 =	vadd.s32 v9, v15;
	v13 =	vld [tilespmem:s0+$0xFFFFFFD8];
	_ =	sdelay $0x4  }
0x111: {  	[tilespmem:v14+s21+$0x0] =	vst.idx.msk $0xffff, v13  }
0x112: {  	v14 =	vadd.s32 v10, v15;
	v13 =	vld [tilespmem:s0+$0xFFFFFFE8];
	_ =	sdelay $0x4  }
0x113: {  	[tilespmem:v14+s21+$0x0] =	vst.idx.msk $0xffff, v13  }
0x114: {  	v14 =	vadd.s32 v11, v15;
	v13 =	vld [tilespmem:s0+$0xFFFFFFF8];
	_ =	sdelay $0x4  }
0x115: {  	[tilespmem:v14+s21+$0x0] =	vst.idx.msk $0xffff, v13  }
0x116: {  	s17 =	sadd.s32 s29, s8;
	v14 =	vadd.s32 v12, v15;
	v13 =	vld [tilespmem:s0+$0x0]  }
0x117: {  	s0 =	sadd.s32 $0x1, s17  }
0x118: {  	s1 =	sadd.s32 @!p0 $0x1A80, s30;
	s31 =	sshrl.u32 s0, $0x3  }
0x119: {  	s0 =	sshll.u32 s0, $0xA;
	s30 =	smul.u32 $0x32000, s31;
	s31 =	sshll.u32 s31, $0xD  }
0x11a: {  	s0 =	ssub.s32 s0, s31  }
0x11b: {  	s14 =	simm.s32 @!p0 $0x80;
	s15 =	simm.s32 @!p0 $0x7200;
	s0 =	sadd.s32 s30, s0;
	[tilespmem:v14+s21+$0x0] =	vst.idx.msk vm0, v13  }
0x11c: {  	[tilespmem:s15], [sflag:$0x3] =	stream.indirect.gather @!p0 [hbm4b:s5+s14], $0x80, s1, s14, $0xb8;
	[tilespmem:$0x16440] =	vst v63  }
0x11d: {  	s17 =	simm.s32 @!p0 $0xD600;
	s0 =	sshrl.u32 s0, $0x3  }
0x11e: {  	[tilespmem:s17], [sflag:$0x5] =	stream.indirect.gather @!p0 [hbm4b:s6+s14], $0x48, s1, s14, $0xb8;
	[tilespmem:$0x16440] =	vst v63  }
0x11f: {  	s1 =	sadd.s32 s3, s0;
	s14 =	simm.s32 $0xFA00  }
0x120: {  	[hbm4b:s1+s4] =	stream.linear.scatter [tilespmem:s14], [sflag:$0x6], $0x80, $0x38;
	[tilespmem:$0x16440] =	vst v63  }
0x121: {  	s15 =	simm.s32 $0xFA88;
	s17 =	sadd.s32 $0x10, s1  }
0x122: {  	[hbm4b:s17+s4] =	stream.linear.scatter [tilespmem:s15], [sflag:$0x6], $0x80, $0x38;
	[tilespmem:$0x16440] =	vst v63  }
0x123: {  	s30 =	simm.s32 $0xFB10;
	s0 =	simm.s32 $0x440;
	s31 =	sadd.s32 $0x20, s1  }
0x124: {  	[hbm4b:s31+s4] =	stream.linear.scatter [tilespmem:s30], [sflag:$0x6], $0x80, $0x38;
	[tilespmem:$0x16440] =	vst v63  }
0x125: {  	s29 =	sadd.s32 $0x70, s1;
	s15 =	simm.s32 $0xFB98;
	s17 =	sadd.s32 $0x30, s1  }
0x126: {  	[hbm4b:s17+s4] =	stream.linear.scatter [tilespmem:s15], [sflag:$0x6], $0x80, $0x38;
	[tilespmem:$0x16440] =	vst v63  }
0x127: {  	s14 =	simm.s32 $0x2200;
	s30 =	simm.s32 $0xFC20;
	s31 =	sadd.s32 $0x40, s1  }
0x128: {  	[hbm4b:s31+s4] =	stream.linear.scatter [tilespmem:s30], [sflag:$0x6], $0x80, $0x38;
	[tilespmem:$0x16440] =	vst v63  }
0x129: {  	s15 =	simm.s32 $0xFCA8;
	s17 =	sadd.s32 $0x50, s1;
	s30 =	simm.s32 $0xFD30  }
0x12a: {  	[hbm4b:s17+s4] =	stream.linear.scatter [tilespmem:s15], [sflag:$0x6], $0x80, $0x38;
	[tilespmem:$0x16440] =	vst v63  }
0x12b: {  	s31 =	sadd.s32 $0x60, s1;
	s1 =	sadd.s32 $0x400, s1;
	s15 =	simm.s32 $0xFDB8  }
0x12c: {  	[hbm4b:s31+s4] =	stream.linear.scatter [tilespmem:s30], [sflag:$0x6], $0x80, $0x38;
	[tilespmem:$0x16440] =	vst v63  }
.LBB2_11:
0x12d: {  	[hbm4b:s29+s4] =	stream.linear.scatter [tilespmem:s15], [sflag:$0x6], $0x80, $0x38;
	[tilespmem:$0x16440] =	vst v63  }
0x12e: {  	s15 =	smov.u32 s0;
	s0 =	smov.u32 s14  }
0x12f: {  	s17 =	sadd.s32 $0x1100, s14;
	s0 =	sshra.s32 s0, $0x2;
	s29 =	sadd.s32 $0xFA00, s15  }
0x130: {  	[hbm4b:s1+s4] =	stream.linear.scatter [tilespmem:s29], [sflag:$0x6], $0x80, $0x38;
	[tilespmem:$0x16440] =	vst v63  }
0x131: {  	p0 =	sne.s32 s14, $0x19800;
	s14 =	sadd.s32 $0xFA88, s15;
	s29 =	sadd.s32 $0x10, s1  }
0x132: {  	[hbm4b:s29+s4] =	stream.linear.scatter [tilespmem:s14], [sflag:$0x6], $0x80, $0x38;
	[tilespmem:$0x16440] =	vst v63  }
0x133: {  	s14 =	sadd.s32 $0xFB10, s15;
	s29 =	sadd.s32 $0x20, s1  }
0x134: {  	[hbm4b:s29+s4] =	stream.linear.scatter [tilespmem:s14], [sflag:$0x6], $0x80, $0x38;
	[tilespmem:$0x16440] =	vst v63  }
0x135: {  	s14 =	sadd.s32 $0xFB98, s15;
	s29 =	sadd.s32 $0x30, s1  }
0x136: {  	[hbm4b:s29+s4] =	stream.linear.scatter [tilespmem:s14], [sflag:$0x6], $0x80, $0x38;
	[tilespmem:$0x16440] =	vst v63  }
0x137: {  	s14 =	sadd.s32 $0xFC20, s15;
	s29 =	sadd.s32 $0x40, s1  }
0x138: {  	[hbm4b:s29+s4] =	stream.linear.scatter [tilespmem:s14], [sflag:$0x6], $0x80, $0x38;
	[tilespmem:$0x16440] =	vst v63  }
.Ltmp4:
0x139: {  	s14 =	sadd.s32 $0xFCA8, s15;
	s29 =	sadd.s32 $0x50, s1;
	(pc) =	sbr.rel @p0 .LBB2_11-.Ltmp4, $4  }
0x13a: {  	[hbm4b:s29+s4] =	stream.linear.scatter [tilespmem:s14], [sflag:$0x6], $0x80, $0x38;
	[tilespmem:$0x16440] =	vst v63  }
0x13b: {  	s14 =	sadd.s32 $0xFD30, s15;
	s29 =	sadd.s32 $0x60, s1;
	s15 =	sadd.s32 $0xFDB8, s15  }
0x13c: {  	[hbm4b:s29+s4] =	stream.linear.scatter [tilespmem:s14], [sflag:$0x6], $0x80, $0x38;
	[tilespmem:$0x16440] =	vst v63  }
0x13d: {  	s29 =	sadd.s32 $0x70, s1;
	s1 =	sadd.s32 $0x400, s1;
	s14 =	smov.u32 s17  }
0x13e: {  	[hbm4b:s29+s4] =	stream.linear.scatter [tilespmem:s15], [sflag:$0x6], $0x80, $0x38;
	[tilespmem:$0x16440] =	vst v63  }
0x13f: {  	s14 =	sadd.s32 $0xFA00, s0  }
0x140: {  	[hbm4b:s1+s4] =	stream.linear.scatter [tilespmem:s14], [sflag:$0x6], $0x80, $0x38;
	[tilespmem:$0x16440] =	vst v63  }
0x141: {  	s30 =	sadd.s32 $0xFA88, s0;
	s31 =	sadd.s32 $0x10, s1  }
0x142: {  	[hbm4b:s31+s4] =	stream.linear.scatter [tilespmem:s30], [sflag:$0x6], $0x80, $0x38;
	[tilespmem:$0x16440] =	vst v63  }
0x143: {  	s17 =	sadd.s32 $0xFB10, s0;
	s29 =	sadd.s32 $0x20, s1  }
0x144: {  	[hbm4b:s29+s4] =	stream.linear.scatter [tilespmem:s17], [sflag:$0x6], $0x80, $0x38;
	[tilespmem:$0x16440] =	vst v63  }
0x145: {  	s30 =	sadd.s32 $0xFB98, s0;
	s31 =	sadd.s32 $0x30, s1  }
0x146: {  	[hbm4b:s31+s4] =	stream.linear.scatter [tilespmem:s30], [sflag:$0x6], $0x80, $0x38;
	[tilespmem:$0x16440] =	vst v63  }
0x147: {  	s28 =	sadd.s32 $0x1, s28;
	s17 =	sadd.s32 $0xFC20, s0;
	s29 =	sadd.s32 $0x40, s1  }
0x148: {  	[hbm4b:s29+s4] =	stream.linear.scatter [tilespmem:s17], [sflag:$0x6], $0x80, $0x38;
	[tilespmem:$0x16440] =	vst v63  }
0x149: {  	p0 =	sne.s32 s28, $0x19;
	s30 =	sadd.s32 $0xFCA8, s0;
	s31 =	sadd.s32 $0x50, s1  }
0x14a: {  	[hbm4b:s31+s4] =	stream.linear.scatter [tilespmem:s30], [sflag:$0x6], $0x80, $0x38;
	[tilespmem:$0x16440] =	vst v63  }
.Ltmp5:
0x14b: {  	_ = 	snop;
	(pc) =	sbr.rel @p0 .LBB2_4-.Ltmp5, $4  }
0x14c: {  	s17 =	sadd.s32 $0xFD30, s0;
	s29 =	sadd.s32 $0x60, s1  }
0x14d: {  	[hbm4b:s29+s4] =	stream.linear.scatter [tilespmem:s17], [sflag:$0x6], $0x80, $0x38;
	[tilespmem:$0x16440] =	vst v63  }
0x14e: {  	s30 =	sadd.s32 $0xFDB8, s0;
	s31 =	sadd.s32 $0x70, s1  }
0x14f: {  	[hbm4b:s31+s4] =	stream.linear.scatter [tilespmem:s30], [sflag:$0x6], $0x80, $0x38;
	[tilespmem:$0x16440] =	vst v63  }
0x150: {  	s25 =	sadd.s32 $0x1, s25  }
0x151: {  	p0 =	sne.s32 s25, s9  }
.Ltmp6:
0x152: {  	_ = 	snop;
	(pc) =	sbr.rel @p0 .LBB2_1-.Ltmp6, $4  }
0x153: {  	_ = 	snop  }
0x154: {  	_ =	swait.ge [sflag:s24], $0x6400  }
0x155: {  	[sflag:s24] =	ssyncset.done $0x0  }
0x156: {  	[sflag:s24] =	ssyncadd.s32 $0xFFFF9C00  }
0x157: {  	_ =	sfence.sel $0x180000  }
0x158: {  	[bflag:$0x0] =	sbarrier.arrive $0xFFFF  }
0x159: {  	_ =	strace $0x9000004D  }
0x15a: {  	s0 =	stileid.u32;
	[bflag:$0x2] =	sbarrier.arrive $0xFFFF  }
0x15b: {  	p0 =	sne.s32 s0, $0x0;
	s0 =	rddreg [dreg:$0x3]  }
0x15c: {  	s0 =	sadd.s32 @!p0 $0x100000, s0  }
0x15d: {  	[sflag:s0] =	ssyncadd.tile.s32 @!p0 $0x1;
	_ =	shalt  }
.Lfunc_end2:
_tile_overlayer_lowered:
.L_overlay_start_2:
0x15e: {  	(tag) =	ssettag $0x2  }
0x15f: {  	s0 =	rddreg [dreg:$0x0];
	s2 =	stileid.u32  }
0x160: {  	s1 =	rddreg [dreg:$0x1];
	p0 =	sne.s32 s2, $0x0  }
0x161: {  	s3 =	rddreg [dreg:$0x2];
	[bflag:$0x3] =	sbarrier.arrive $0xFFFF;
	s2 =	simm.s32 @!p0 $0x1C07  }
0x162: {  	[timem:s3], [sflag:s2] =	dma.local @!p0 [hbm:s0], s1  }
0x163: {  	s0 =	simm.s32 @!p0 $0x7  }
0x164: {  	_ =	swait.ge @!p0 [sflag:s0], s1  }
0x165: {  	s1 =	ssub.s32 @!p0 $0x0, s1;
	[sflag:s0] =	ssyncset.done @!p0 $0x0  }
0x166: {  	[sflag:s0] =	ssyncadd.s32 @!p0 s1  }
0x167: {  	[bflag:$0x3] =	sbarrier.arrive $0xFFFF  }
0x168: {  	_ =	shalt  }

// kernel: sparse-core-data-format-call.1.cloned.1.call-start
scs
called_computation.1_lowered:
.L_overlay_start_0:
0x0: {  	s2 =	sld [smem:$0x3FD9]  }
0x1: {  	s3 =	sld [smem:$0x3FFE];
	_ =	sdelay $0x1  }
0x2: {  	s1 =	srdreg.scid  }
0x3: {  	s0 =	sand.u32 $0x1, s1  }
0x4: {  	s18 =	sshll.u32 s0, $0xA;
	s2 =	sadd.s32 s3, s2  }
0x5: {  	s2 =	sadd.s32 s2, s18  }
0x6: {  	[smem:$0x3FC5] =	sst s2  }
0x7: {  	_ = 	snop  }
0x8: {  	(tm) =	ssettm $0x1  }
0x9: {  	s19 =	sld [smem:$0x3FFB];
	_ =	sdelay $0x3  }
0xa: {  	_ =	strace s19  }
0xb: {  	s2 =	sld [smem:$0x3FFC];
	_ =	sdelay $0x3  }
0xc: {  	_ =	strace s2  }
0xd: {  	s2 =	sld [smem:$0x3FFD];
	_ =	sdelay $0x3  }
0xe: {  	_ =	strace s2  }
0xf: {  	_ =	strace $0x8FFFFFFF  }
0x10: {  	s20 =	sld [smem:$0x3FDB];
	_ =	sdelay $0x1  }
0x11: {  	s21 =	simm.s32 $_scs_section_size  }
0x12: {  	s4 =	simm.s32 $_size__tile_overlayer_lowered;
	s5 =	simm.s32 $_tile_overlayer_lowered  }
0x13: {  	s6 =	simm.s32 $0x1BFF;
	s22 =	sshll.u32 s5, $0x1;
	s3 =	sadd.s32 s21, s20  }
0x14: {  	s23 =	simm.s32 $0x0;
	s4 =	sshll.u32 s4, $0x1;
	s5 =	sadd.s32 s22, s3  }
0x15: {  	[timem:s23], [sflag:s6] =	dma.local [hbm:s5], s4  }
0x16: {  	_ =	swait.ge [sflag:s6], s4  }
0x17: {  	s4 =	ssub.s32 $0x0, s4;
	[sflag:s6] =	ssyncset.done $0x0  }
0x18: {  	[sflag:s6] =	ssyncadd.s32 s4;
	_ =	sdelay $0x1  }
0x19: {  	s24 =	simm.s32 $0x1B8B  }
0x1a: {  	_ =	swait.ge [sflag:s24], $0x1  }
0x1b: {  	[sflag:s24] =	ssyncset.done $0x0  }
0x1c: {  	[sflag:s24] =	ssyncadd.s32 $0xFFFFFFFF  }
0x1d: {  	s4 =	sld [smem:$0x0]  }
0x1e: {  	s5 =	sand.u32 $0xFFFFFFFE, s1  }
0x1f: {  	p0 =	sne.s32 s1, s5  }
0x20: {  	s5 =	sshll.u32 @p0 s5, $0xE  }
0x21: {  	s5 =	sadd.s32 @p0 $0x11B8D, s5;
	s6 =	sshll.u32 @p0 s4, $0x11  }
0x22: {  	s5 =	sor.u32 @p0 s6, s5  }
0x23: {  	[sflag:s5] =	ssyncadd.remote.s32 @p0 $0x1;
	_ =	sdelay $0x1  }
0x24: {  	s5 =	simm.s32 @p0 $0x1B8D  }
0x25: {  	_ =	swait.eq @p0 [sflag:s5], $0x1  }
0x26: {  	[sflag:s5] =	ssyncadd.s32 @p0 $0xFFFFFFFF  }
0x27: {  	s6 =	sshll.u32 @!p0 s1, $0xE  }
0x28: {  	s6 =	sor.u32 @!p0 $0x4000, s6;
	s5 =	simm.s32 @!p0 $0x1B8D  }
0x29: {  	s4 =	sshll.u32 @!p0 s4, $0x11;
	s6 =	sadd.s32 @!p0 $0x11B8D, s6;
	_ =	swait.eq @!p0 [sflag:s5], $0x1  }
0x2a: {  	s4 =	sor.u32 @!p0 s4, s6;
	[sflag:s5] =	ssyncadd.s32 @!p0 $0xFFFFFFFF  }
0x2b: {  	s26 =	simm.s32 $0x1B8E;
	s25 =	sld [smem:$0x3FFE];
	[sflag:s4] =	ssyncadd.remote.s32 @!p0 $0x1  }
0x2c: {  	s27 =	simm.s32 $execute0_lowered;
	[smem:$0x3FD2] =	sst s26  }
0x2d: {  	s5 =	sshll.u32 s27, $0x1;
	_ =	strace $0x80000049;
	[dreg:$0x1] =	wrdreg $0xFFFFFFFF  }
0x2e: {  	s28 =	simm.s32 $_size_execute0_lowered;
	s3 =	sadd.s32 s3, s5;
	[dreg:$0x0] =	wrdreg $0x0  }
0x2f: {  	s5 =	sshll.u32 s28, $0x1;
	[dreg:$0x2] =	wrdreg s3  }
0x30: {  	[dreg:$0x3] =	wrdreg s5  }
0x31: {  	[dreg:$0x4] =	wrdreg $0xC0  }
0x32: {  	_ =	task [dreg:s23], $0x5FFFF  }
0x33: {  	[dreg:$0x1] =	wrdreg $0xFFFFFFFF  }
0x34: {  	[dreg:$0x0] =	wrdreg $0x60  }
0x35: {  	[dreg:$0x2] =	wrdreg s25  }
0x36: {  	[dreg:$0x3] =	wrdreg $0xA  }
0x37: {  	_ =	task.clear_ibuf [dreg:s23], $0x4FFFF;
	_ =	strace $0x90000049  }
0x38: {  	s29 =	simm.s32 $0xA;
	_ =	strace $0x8000004B  }
0x39: {  	_ =	swait.ge [sflag:s29], $0x1  }
0x3a: {  	[sflag:s29] =	ssyncadd.s32 $0xFFFFFFFF  }
0x3b: {  	_ =	strace $0x9000004B  }
0x3c: {  	_ =	sfence  }
0x3d: {  	s30 =	sld [smem:$0x0];
	_ =	sdelay $0x2  }
0x3e: {  	s31 =	sshll.u32 s1, $0xD;
	s1 =	sshrl.u32 s1, $0x2  }
0x3f: {  	s4 =	sand.u32 $0x4000, s31;
	s1 =	sadd.s32 s1, s30  }
0x40: {  	s0 =	sor.u32 s4, s0;
	s1 =	sshll.u32 s1, $0x11  }
0x41: {  	s0 =	sor.u32 s1, s0  }
0x42: {  	s0 =	sadd.s32 $0x8F2B, s0  }
0x43: {  	[sflag:s0] =	ssyncadd.remote.s32 $0x1  }
0x44: {  	_ =	sfence.sel $0xFFFF  }
0x45: {  	[dreg:$0x0] =	wrdreg $0xFFFFFFFF;
	(pc) =	sbr.abs _section_cstart, $3  }
0x46: {  	[dreg:$0x1] =	wrdreg $0xFFFFFFFF  }
0x47: {  	_ =	task.clear_ibuf [dreg:s23], $0x2FFFF;
	_ =	strace $0x9FFFFFFF  }
0x48: {  	(tm) =	ssettm $0x7FFFFFFF  }
0x49: {  	_ =	shalt  }
tec
execute0_lowered:
.L_overlay_start_1:
0x0: {  	(tag) =	ssettag $0x1  }
0x1: {  	s0 =	srdreg.scid  }
0x2: {  	s5 =	rddreg [dreg:$0x0];
	s1 =	sshll.u32 s0, $0x4  }
0x3: {  	s4 =	simm.s32 $0x1;
	s0 =	stileid.u32;
	s1 =	sand.u32 $0x10, s1  }
0x4: {  	s8 =	simm.s32 $0x2;
	s12 =	simm.s32 $0x0;
	s2 =	sor.u32 s0, s1  }
0x5: {  	s11 =	simm.s32 $0x0;
	s9 =	simm.s32 $0x0;
	s2 =	sshll.u32 s2, $0x7  }
0x6: {  	s10 =	simm.s32 $0x0;
	s3 =	sadd.s32 $0x61B600, s5;
	s6 =	ssub.s32 $0x61A80, s2  }
.Ltmp0:
0x7: {  	s1 =	rddreg [dreg:$0x1];
	s7 =	sand.u32 $0xF80, s6;
	(pc) =	sbr.rel .LBB1_1-.Ltmp0, $4  }
0x8: {  	_ =	strace $0x8000004A;
	p0 =	sne.s32 s7, $0x0;
	s7 =	simm.s32 $0x1  }
0x9: {  	[sflag:s4] =	ssyncpa.u1 $0x0;
	s6 =	sshrl.u32 s6, $0xC;
	s7 =	simm.s32 @!p0 $0x0  }
0xa: {  	s5 =	sadd.s32 $0xC35E00, s5;
	[sflag:s8] =	ssyncpa.u1 $0x0;
	s6 =	sadd.s32 s7, s6  }
0xb: {  	s8 =	smov.u32 s2;
	p0 =	por $0x0, $0x0;
	s7 =	sadd.s32 $0x1, s6  }
.LBB1_4:
0xc: {  	s12 =	sshll.u32 s12, $0x7;
	s18 =	sshll.u32 s11, $0x3  }
0xd: {  	v5 =	vld [tilespmem:s16+$0xFFFFFFD0];
	[tilespmem:s15+$0x2040 ss:$0x81] =	vst.msk $0xffff, v4;
	s19 =	sand.u32 $0xFFFFFC00, s12;
	s18 =	sand.u32 $0xFFFFFC00, s18  }
0xe: {  	v58 =	vld [tilespmem:s16+$0xFFFFFFE0];
	[tilespmem:s15+$0x2850 ss:$0x81] =	vst.msk $0xffff, v3;
	s12 =	sand.u32 $0x380, s12;
	s18 =	sadd.s32 s18, s19  }
0xf: {  	s17 =	sshra.s32 s17, $0x2;
	v59 =	vld [tilespmem:s16+$0xFFFFFFF0];
	[tilespmem:s15+$0x3060 ss:$0x81] =	vst.msk $0xffff, v2;
	s12 =	sor.u32 s12, s18  }
0x10: {  	v60 =	vld [tilespmem:s16+$0x0];
	[tilespmem:s15+$0x0 ss:$0x81] =	vst.msk $0xffff, v0;
	s14 =	sadd.s32 s17, s14;
	s12 =	sshrl.u32 s12, $0x7  }
0x11: {  	v61 =	vld [tilespmem:s16+$0x10];
	[tilespmem:s14+$0x3870 ss:$0x81] =	vst.msk $0xffff, v1;
	s28 =	smulhi.u32 $0x14F8B59, s12  }
0x12: {  	v62 =	vld [tilespmem:s16+$0x20];
	[tilespmem:s14+$0x810 ss:$0x81] =	vst.msk $0xffff, v5  }
0x13: {  	v63 =	vld [tilespmem:s16+$0xFFFFFFC0];
	[tilespmem:s14+$0x1020 ss:$0x81] =	vst.msk $0xffff, v58;
	s15 =	sshrl.u32 s28, $0xB  }
0x14: {  	[tilespmem:s14+$0x1830 ss:$0x81] =	vst.msk $0xffff, v59;
	s15 =	smul.u32 $0x61A80, s15  }
0x15: {  	s29 =	sshrl.u32 s11, $0x3;
	[tilespmem:s14+$0x2040 ss:$0x81] =	vst.msk $0xffff, v60  }
0x16: {  	s30 =	sand.u32 $0xF, s29;
	[tilespmem:s14+$0x2850 ss:$0x81] =	vst.msk $0xffff, v61;
	s12 =	ssub.s32 s12, s15  }
0x17: {  	[tilespmem:s14+$0x3060 ss:$0x81] =	vst.msk $0xffff, v62;
	s15 =	sadd.s32 s5, s30;
	s12 =	sshll.u32 s12, $0x4  }
0x18: {  	s31 =	sand.u32 $0x7, s11;
	[tilespmem:s14+$0x0 ss:$0x81] =	vst.msk $0xffff, v63;
	s12 =	sadd.s32 s12, s15  }
0x19: {  	[hbm4b:s12+s31] =	stream.linear.scatter [tilespmem:s13], [sflag:$0x2], $0x4000, $0x20;
	[tilespmem:$0x10100] =	vst v63  }
.LBB1_5:
0x1a: {  	s13 =	sadd.s32 $0x1000, s8  }
0x1b: {  	s11 =	sadd.s32 $0x80, s9;
	s15 =	smov.u32 s9;
	p2 =	sgt.s32 s13, $0x61A7F  }
0x1c: {  	s15 =	smov.u32 @p2 s11  }
0x1d: {  	s13 =	smov.u32 @p2 s2;
	p2 =	sgt.s32 s15, $0x7F  }
0x1e: {  	s15 =	simm.s32 @p2 $0x0;
	p2 =	sne.s32 s10, s7  }
.Ltmp1:
0x1f: {  	p1 =	slt.u32 s10, $0x2;
	(pc) =	sbr.rel @!p2 .LBB1_6-.Ltmp1, $4  }
0x20: {  	s14 =	simm.s32 @!p1 $0x2  }
0x21: {  	s12 =	smov.u32 s8;
	p0 =	por !p0, !p0;
	_ =	swait.ge @!p1 [sflag:s14], $0x4000  }
0x22: {  	s11 =	smov.u32 s9;
	[sflag:s14] =	ssyncset.done @!p1 $0x0;
	s8 =	smov.u32 s13  }
0x23: {  	s10 =	sadd.s32 $0x1, s10;
	[sflag:s14] =	ssyncadd.s32 @!p1 $0xFFFFC000;
	s9 =	smov.u32 s15  }
.LBB1_1:
0x24: {  	p1 =	sge.u32 s10, s6  }
0x25: {  	s13 =	sshrl.u32 @!p1 s9, $0x3  }
0x26: {  	s14 =	sshll.u32 @!p1 s8, $0x3;
	s13 =	smul.u32 @!p1 $0x30D400, s13  }
0x27: {  	s15 =	sshll.u32 @!p1 s9, $0x7;
	s14 =	sand.u32 @!p1 $0xFFFFFC00, s14  }
0x28: {  	s13 =	sadd.s32 @!p1 s13, s14;
	s14 =	sand.u32 @!p1 $0x380, s15  }
0x29: {  	s13 =	sor.u32 @!p1 s14, s13  }
0x2a: {  	s14 =	sshrl.u32 @!p1 s13, $0x7  }
0x2b: {  	s14 =	smulhi.u32 @!p1 $0x14F8B59, s14;
	_ =	sdelay $0x1  }
0x2c: {  	s14 =	sshrl.u32 @!p1 s14, $0x4  }
0x2d: {  	s15 =	sand.u32 @!p1 $0x7F, s8;
	s16 =	smul.u32 @!p1 $0x61A80, s14  }
0x2e: {  	s31 =	sadd.s32 $0xFFFFFFFF, s10;
	s13 =	sor.u32 @!p1 s15, s13;
	s15 =	sxor.u32 @!p1 $0xFFFFFFFF, s10  }
0x2f: {  	s15 =	sshll.u32 @!p1 s15, $0xE;
	s14 =	sand.u32 @!p1 $0x7F, s14;
	s13 =	ssub.s32 @!p1 s13, s16  }
0x30: {  	s14 =	smul.u32 @!p1 $0xC350, s14;
	s16 =	sshrl.u32 @!p1 s13, $0x3;
	s13 =	sand.u32 @!p1 $0x7, s13  }
0x31: {  	s15 =	sand.u32 @!p1 $0x4000, s15;
	s16 =	sadd.s32 @!p1 s3, s16;
	s13 =	sshll.u32 @!p1 s13, $0x12  }
0x32: {  	s14 =	sadd.s32 @!p1 s14, s16;
	s13 =	sor.u32 @!p1 $0x400, s13;
	s16 =	simm.s32 @!p1 $0x30D400  }
0x33: {  	[tilespmem:s15], [sflag:$0x1] =	stream.strided.gather @!p1 [hbm4b:s14+s13], $0x4000, s16, s13, $0x38;
	[tilespmem:$0x10100] =	vst v63  }
0x34: {  	p1 =	sge.u32 s31, s6  }
.Ltmp2:
0x35: {  	_ = 	snop;
	(pc) =	sbr.rel @p1 .LBB1_5-.Ltmp2, $1  }
0x36: {  	_ =	sdelay $0x3  }
0x37: {  	s13 =	simm.s32 $0x1  }
0x38: {  	_ =	swait.ge [sflag:s4], $0x4000;
	s13 =	simm.s32 @!p0 $0x0  }
0x39: {  	[sflag:s4] =	ssyncset.done $0x0;
	s14 =	sshll.u32 s13, $0xE  }
0x3a: {  	[sflag:s4] =	ssyncadd.s32 $0xFFFFC000;
	s16 =	sor.u32 $0x40, s14  }
0x3b: {  	s13 =	smul.u32 $0x10200, s13;
	v0 =	vld [tilespmem:s16+$0x30]  }
0x3c: {  	v1 =	vld [tilespmem:s16+$0xFFFFFFD0]  }
0x3d: {  	s13 =	sshrl.u32 s13, $0x2;
	v5 =	vld [tilespmem:s16+$0xFFFFFFE0]  }
0x3e: {  	v6 =	vld [tilespmem:s16+$0xFFFFFFF0];
	s14 =	sor.u32 $0x8000, s13  }
0x3f: {  	s31 =	sand.u32 $0x1, s10;
	v4 =	vld [tilespmem:s16+$0x0];
	s15 =	sadd.s32 $0x0, s14  }
0x40: {  	v3 =	vld [tilespmem:s16+$0x10];
	s13 =	smul.u32 $0x10200, s31;
	[tilespmem:s15+$0x3870 ss:$0x81] =	vst.msk $0xffff, v0  }
0x41: {  	v2 =	vld [tilespmem:s16+$0x20];
	[tilespmem:s15+$0x810 ss:$0x81] =	vst.msk $0xffff, v1  }
0x42: {  	s13 =	sshrl.u32 s13, $0x2;
	v0 =	vld [tilespmem:s16+$0xFFFFFFC0];
	[tilespmem:s15+$0x1020 ss:$0x81] =	vst.msk $0xffff, v5;
	s16 =	sadd.s32 $0x80, s16  }
0x43: {  	s17 =	simm.s32 $0x4;
	s18 =	simm.s32 $0x8;
	s13 =	sor.u32 $0x8000, s13;
	[tilespmem:s15+$0x1830 ss:$0x81] =	vst.msk $0xffff, v6;
	v1 =	vld [tilespmem:s16+$0x30]  }
.LBB1_3:
0x44: {  	p1 =	sne.s32 s18, $0x1FC;
	v5 =	vld [tilespmem:s16+$0xFFFFFFD0];
	[tilespmem:s15+$0x2040 ss:$0x81] =	vst.msk $0xffff, v4  }
0x45: {  	v6 =	vld [tilespmem:s16+$0xFFFFFFE0];
	[tilespmem:s15+$0x2850 ss:$0x81] =	vst.msk $0xffff, v3  }
0x46: {  	s19 =	sshra.s32 s17, $0x2;
	s17 =	smov.u32 s18;
	v7 =	vld [tilespmem:s16+$0xFFFFFFF0];
	[tilespmem:s15+$0x3060 ss:$0x81] =	vst.msk $0xffff, v2  }
.Ltmp3:
0x47: {  	v4 =	vld [tilespmem:s16+$0x0];
	[tilespmem:s15+$0x0 ss:$0x81] =	vst.msk $0xffff, v0;
	s15 =	sadd.s32 s19, s14;
	(pc) =	sbr.rel @p1 .LBB1_3-.Ltmp3, $4  }
0x48: {  	v3 =	vld [tilespmem:s16+$0x10];
	[tilespmem:s15+$0x3870 ss:$0x81] =	vst.msk $0xffff, v1  }
0x49: {  	[tilespmem:s15+$0x810 ss:$0x81] =	vst.msk $0xffff, v5;
	v2 =	vld [tilespmem:s16+$0x20]  }
0x4a: {  	v0 =	vld [tilespmem:s16+$0xFFFFFFC0];
	[tilespmem:s15+$0x1020 ss:$0x81] =	vst.msk $0xffff, v6;
	s16 =	sadd.s32 $0x80, s16  }
0x4b: {  	s18 =	sadd.s32 $0x4, s18;
	v1 =	vld [tilespmem:s16+$0x30];
	[tilespmem:s15+$0x1830 ss:$0x81] =	vst.msk $0xffff, v7  }
.Ltmp4:
0x4c: {  	_ = 	snop;
	(pc) =	sbr.rel .LBB1_4-.Ltmp4, $1  }
0x4d: {  	_ =	sdelay $0x3  }
.LBB1_6:
0x4e: {  	_ =	sfence.sel $0x180000  }
0x4f: {  	s2 =	simm.s32 $0x1;
	[bflag:$0x0] =	sbarrier.arrive $0xFFFF  }
0x50: {  	s31 =	simm.s32 $0x2;
	[sflag:s2] =	ssyncpa.u1 $0x1  }
0x51: {  	[sflag:s31] =	ssyncpa.u1 $0x1  }
0x52: {  	p0 =	sne.s32 s0, $0x0;
	_ =	strace $0x9000004A  }
0x53: {  	s0 =	sadd.s32 @!p0 $0x100000, s1;
	[bflag:$0x2] =	sbarrier.arrive $0xFFFF  }
0x54: {  	[sflag:s0] =	ssyncadd.tile.s32 @!p0 $0x1;
	_ =	shalt  }
.Lfunc_end1:
_tile_overlayer_lowered:
.L_overlay_start_2:
0x55: {  	(tag) =	ssettag $0x2  }
0x56: {  	s0 =	rddreg [dreg:$0x0];
	s2 =	stileid.u32  }
0x57: {  	s1 =	rddreg [dreg:$0x1];
	p0 =	sne.s32 s2, $0x0  }
0x58: {  	s3 =	rddreg [dreg:$0x2];
	[bflag:$0x3] =	sbarrier.arrive $0xFFFF;
	s2 =	simm.s32 @!p0 $0x1C01  }
0x59: {  	[timem:s3], [sflag:s2] =	dma.local @!p0 [hbm:s0], s1  }
0x5a: {  	s0 =	simm.s32 @!p0 $0x1  }
0x5b: {  	_ =	swait.ge @!p0 [sflag:s0], s1  }
0x5c: {  	s1 =	ssub.s32 @!p0 $0x0, s1;
	[sflag:s0] =	ssyncset.done @!p0 $0x0  }
0x5d: {  	[sflag:s0] =	ssyncadd.s32 @!p0 s1  }
0x5e: {  	[bflag:$0x3] =	sbarrier.arrive $0xFFFF  }
0x5f: {  	_ =	shalt  }

// kernel: sparse-core-data-format-call.cloned.1.call-start
scs
called_computation_lowered:
.L_overlay_start_0:
0x0: {  	s2 =	sld [smem:$0x3FD9]  }
0x1: {  	s3 =	sld [smem:$0x3FFE];
	_ =	sdelay $0x1  }
0x2: {  	s1 =	srdreg.scid  }
0x3: {  	s0 =	sand.u32 $0x1, s1  }
0x4: {  	s18 =	sshll.u32 s0, $0xA;
	s2 =	sadd.s32 s3, s2  }
0x5: {  	s2 =	sadd.s32 s2, s18  }
0x6: {  	[smem:$0x3FC5] =	sst s2  }
0x7: {  	_ = 	snop  }
0x8: {  	s2 =	sld [smem:$0x3FD0];
	(tm) =	ssettm $0x1  }
0x9: {  	s19 =	sld [smem:$0x3FFB];
	_ =	sdelay $0x3  }
0xa: {  	_ =	strace s19  }
0xb: {  	s3 =	sld [smem:$0x3FFC];
	_ =	sdelay $0x3  }
0xc: {  	_ =	strace s3  }
0xd: {  	s3 =	sld [smem:$0x3FFD];
	_ =	sdelay $0x3  }
0xe: {  	_ =	strace s3  }
0xf: {  	_ =	strace $0x8FFFFFFF  }
0x10: {  	s20 =	sld [smem:$0x3FDB];
	_ =	sdelay $0x1  }
0x11: {  	s4 =	simm.s32 $_scs_section_size  }
0x12: {  	s5 =	simm.s32 $_size__tile_overlayer_lowered;
	s6 =	simm.s32 $_tile_overlayer_lowered  }
0x13: {  	s23 =	simm.s32 $0x1BFF;
	s22 =	sshll.u32 s6, $0x1;
	s3 =	sadd.s32 s4, s20  }
0x14: {  	s7 =	simm.s32 $0x0;
	s21 =	sshll.u32 s5, $0x1;
	s5 =	sadd.s32 s22, s3  }
0x15: {  	[timem:s7], [sflag:s23] =	dma.local [hbm:s5], s21  }
0x16: {  	_ =	swait.ge [sflag:s23], s21  }
0x17: {  	s4 =	ssub.s32 $0x0, s21;
	[sflag:s23] =	ssyncset.done $0x0  }
0x18: {  	[sflag:s23] =	ssyncadd.s32 s4;
	_ =	sdelay $0x1  }
0x19: {  	s24 =	simm.s32 $0x1B8B  }
0x1a: {  	_ =	swait.ge [sflag:s24], $0x1  }
0x1b: {  	[sflag:s24] =	ssyncset.done $0x0  }
0x1c: {  	s26 =	simm.s32 $0x1B8E;
	s25 =	sld [smem:$0x3FFE];
	[sflag:s24] =	ssyncadd.s32 $0xFFFFFFFF  }
0x1d: {  	s27 =	simm.s32 $execute0_lowered;
	[smem:$0x3FD2] =	sst s26  }
0x1e: {  	s5 =	sshll.u32 s27, $0x1;
	_ =	strace $0x80000046;
	[dreg:$0x1] =	wrdreg $0xFFFFFFFF  }
0x1f: {  	s28 =	simm.s32 $_size_execute0_lowered;
	s3 =	sadd.s32 s3, s5;
	[dreg:$0x0] =	wrdreg $0x0  }
0x20: {  	s5 =	sshll.u32 s28, $0x1;
	[dreg:$0x2] =	wrdreg s3  }
0x21: {  	[dreg:$0x3] =	wrdreg s5  }
0x22: {  	[dreg:$0x4] =	wrdreg $0xC0  }
0x23: {  	_ =	task [dreg:s7], $0x5FFFF  }
0x24: {  	[dreg:$0x1] =	wrdreg $0xFFFFFFFF  }
0x25: {  	[dreg:$0x0] =	wrdreg $0x60  }
0x26: {  	[dreg:$0x2] =	wrdreg s2  }
0x27: {  	[dreg:$0x3] =	wrdreg s25  }
0x28: {  	[dreg:$0x4] =	wrdreg $0x9  }
0x29: {  	_ =	task.clear_ibuf [dreg:s7], $0x5FFFF;
	_ =	strace $0x90000046  }
0x2a: {  	s29 =	simm.s32 $0x9;
	_ =	strace $0x80000048  }
0x2b: {  	_ =	swait.ge [sflag:s29], $0x1  }
0x2c: {  	[sflag:s29] =	ssyncadd.s32 $0xFFFFFFFF  }
0x2d: {  	_ =	strace $0x90000048  }
0x2e: {  	_ =	sfence  }
0x2f: {  	s30 =	sld [smem:$0x0];
	_ =	sdelay $0x2  }
0x30: {  	s31 =	sshll.u32 s1, $0xD;
	s1 =	sshrl.u32 s1, $0x2  }
0x31: {  	s3 =	sand.u32 $0x4000, s31;
	s1 =	sadd.s32 s1, s30  }
0x32: {  	s0 =	sor.u32 s3, s0;
	s1 =	sshll.u32 s1, $0x11  }
0x33: {  	s0 =	sor.u32 s1, s0  }
0x34: {  	s0 =	sadd.s32 $0x8F2B, s0  }
0x35: {  	[sflag:s0] =	ssyncadd.remote.s32 $0x1  }
0x36: {  	_ =	sfence.sel $0xFFFF  }
0x37: {  	[dreg:$0x0] =	wrdreg $0xFFFFFFFF;
	(pc) =	sbr.abs _section_cstart, $3  }
0x38: {  	[dreg:$0x1] =	wrdreg $0xFFFFFFFF  }
0x39: {  	_ =	task.clear_ibuf [dreg:s7], $0x2FFFF;
	_ =	strace $0x9FFFFFFF  }
0x3a: {  	(tm) =	ssettm $0x7FFFFFFF  }
0x3b: {  	_ =	shalt  }
tec
execute0_lowered:
.L_overlay_start_1:
0x0: {  	(tag) =	ssettag $0x1  }
0x1: {  	s0 =	srdreg.scid  }
0x2: {  	s2 =	rddreg [dreg:$0x0];
	s1 =	sshll.u32 s0, $0x4  }
0x3: {  	s5 =	rddreg [dreg:$0x1];
	s0 =	stileid.u32;
	s1 =	sand.u32 $0x10, s1  }
0x4: {  	s4 =	simm.s32 $0x1;
	s8 =	simm.s32 $0x2;
	s1 =	sor.u32 s0, s1  }
0x5: {  	s12 =	simm.s32 $0x0;
	s11 =	simm.s32 $0x0;
	s3 =	sshll.u32 s1, $0x7  }
0x6: {  	s9 =	simm.s32 $0x0;
	s10 =	simm.s32 $0x0;
	s6 =	ssub.s32 $0x61A80, s3  }
.Ltmp0:
0x7: {  	s1 =	rddreg [dreg:$0x2];
	s7 =	sand.u32 $0xF80, s6;
	(pc) =	sbr.rel .LBB1_1-.Ltmp0, $4  }
0x8: {  	_ =	strace $0x80000047;
	p0 =	sne.s32 s7, $0x0;
	s7 =	simm.s32 $0x1  }
0x9: {  	[sflag:s4] =	ssyncpa.u1 $0x0;
	s6 =	sshrl.u32 s6, $0xC;
	s7 =	simm.s32 @!p0 $0x0  }
0xa: {  	s5 =	sadd.s32 $0xE00, s5;
	[sflag:s8] =	ssyncpa.u1 $0x0;
	s6 =	sadd.s32 s7, s6  }
0xb: {  	s8 =	smov.u32 s3;
	p0 =	por $0x0, $0x0;
	s7 =	sadd.s32 $0x1, s6  }
.LBB1_4:
0xc: {  	s12 =	sshll.u32 s12, $0x7;
	s18 =	sshll.u32 s11, $0x3  }
0xd: {  	v5 =	vld [tilespmem:s16+$0xFFFFFFD0];
	[tilespmem:s15+$0x2040 ss:$0x81] =	vst.msk $0xffff, v4;
	s19 =	sand.u32 $0xFFFFFC00, s12;
	s18 =	sand.u32 $0xFFFFFC00, s18  }
0xe: {  	v58 =	vld [tilespmem:s16+$0xFFFFFFE0];
	[tilespmem:s15+$0x2850 ss:$0x81] =	vst.msk $0xffff, v3;
	s12 =	sand.u32 $0x380, s12;
	s18 =	sadd.s32 s18, s19  }
0xf: {  	s17 =	sshra.s32 s17, $0x2;
	v59 =	vld [tilespmem:s16+$0xFFFFFFF0];
	[tilespmem:s15+$0x3060 ss:$0x81] =	vst.msk $0xffff, v2;
	s12 =	sor.u32 s12, s18  }
0x10: {  	v60 =	vld [tilespmem:s16+$0x0];
	[tilespmem:s15+$0x0 ss:$0x81] =	vst.msk $0xffff, v0;
	s14 =	sadd.s32 s17, s14;
	s12 =	sshrl.u32 s12, $0x7  }
0x11: {  	v61 =	vld [tilespmem:s16+$0x10];
	[tilespmem:s14+$0x3870 ss:$0x81] =	vst.msk $0xffff, v1;
	s28 =	smulhi.u32 $0x14F8B59, s12  }
0x12: {  	v62 =	vld [tilespmem:s16+$0x20];
	[tilespmem:s14+$0x810 ss:$0x81] =	vst.msk $0xffff, v5  }
0x13: {  	v63 =	vld [tilespmem:s16+$0xFFFFFFC0];
	[tilespmem:s14+$0x1020 ss:$0x81] =	vst.msk $0xffff, v58;
	s15 =	sshrl.u32 s28, $0xB  }
0x14: {  	[tilespmem:s14+$0x1830 ss:$0x81] =	vst.msk $0xffff, v59;
	s15 =	smul.u32 $0x61A80, s15  }
0x15: {  	s29 =	sshrl.u32 s11, $0x3;
	[tilespmem:s14+$0x2040 ss:$0x81] =	vst.msk $0xffff, v60  }
0x16: {  	s30 =	sand.u32 $0xF, s29;
	[tilespmem:s14+$0x2850 ss:$0x81] =	vst.msk $0xffff, v61;
	s12 =	ssub.s32 s12, s15  }
0x17: {  	[tilespmem:s14+$0x3060 ss:$0x81] =	vst.msk $0xffff, v62;
	s15 =	sadd.s32 s5, s30;
	s12 =	sshll.u32 s12, $0x4  }
0x18: {  	s31 =	sand.u32 $0x7, s11;
	[tilespmem:s14+$0x0 ss:$0x81] =	vst.msk $0xffff, v63;
	s12 =	sadd.s32 s12, s15  }
0x19: {  	[hbm4b:s12+s31] =	stream.linear.scatter [tilespmem:s13], [sflag:$0x2], $0x4000, $0x20;
	[tilespmem:$0x10100] =	vst v63  }
.LBB1_5:
0x1a: {  	s13 =	sadd.s32 $0x1000, s8  }
0x1b: {  	s11 =	sadd.s32 $0x80, s9;
	s15 =	smov.u32 s9;
	p2 =	sgt.s32 s13, $0x61A7F  }
0x1c: {  	s15 =	smov.u32 @p2 s11  }
0x1d: {  	s13 =	smov.u32 @p2 s3;
	p2 =	sgt.s32 s15, $0x47  }
0x1e: {  	s15 =	simm.s32 @p2 $0x0;
	p2 =	sne.s32 s10, s7  }
.Ltmp1:
0x1f: {  	p1 =	slt.u32 s10, $0x2;
	(pc) =	sbr.rel @!p2 .LBB1_6-.Ltmp1, $4  }
0x20: {  	s14 =	simm.s32 @!p1 $0x2  }
0x21: {  	s12 =	smov.u32 s8;
	p0 =	por !p0, !p0;
	_ =	swait.ge @!p1 [sflag:s14], $0x4000  }
0x22: {  	s11 =	smov.u32 s9;
	[sflag:s14] =	ssyncset.done @!p1 $0x0;
	s8 =	smov.u32 s13  }
0x23: {  	s10 =	sadd.s32 $0x1, s10;
	[sflag:s14] =	ssyncadd.s32 @!p1 $0xFFFFC000;
	s9 =	smov.u32 s15  }
.LBB1_1:
0x24: {  	p1 =	sge.u32 s10, s6  }
0x25: {  	s13 =	sshrl.u32 @!p1 s9, $0x3  }
0x26: {  	s19 =	smov.u32 s8;
	s14 =	sshll.u32 @!p1 s8, $0x3;
	s13 =	smul.u32 @!p1 $0x30D400, s13  }
0x27: {  	s31 =	sadd.s32 $0xFFFFFFFF, s10;
	s15 =	sshll.u32 @!p1 s9, $0x7;
	s14 =	sand.u32 @!p1 $0xFFFFFC00, s14  }
0x28: {  	s16 =	sand.u32 @!p1 $0x7F, s8;
	s13 =	sadd.s32 @!p1 s13, s14;
	s14 =	sand.u32 @!p1 $0x380, s15  }
0x29: {  	p2 =	sgt.s32 @!p1 s9, $0xFFFFFFC8;
	s18 =	sshra.s32 @!p1 s9, $0x1F;
	s13 =	sor.u32 @!p1 s14, s13  }
0x2a: {  	s20 =	sshra.s32 @!p1 s8, $0x1F;
	p2 =	por !p2, p1;
	s14 =	sshrl.u32 @!p1 s13, $0x7  }
0x2b: {  	s13 =	sor.u32 @!p1 s16, s13;
	s16 =	smov.u32 s9;
	s14 =	smulhi.u32 @!p1 $0x14F8B59, s14  }
0x2c: {  	s18 =	sand.u32 @!p1 s18, s9;
	s16 =	simm.s32 @p2 $0xFFFFFFC8;
	p2 =	sgt.s32 @!p1 s8, $0x61A00  }
0x2d: {  	s20 =	sand.u32 @!p1 s20, s8;
	p2 =	por !p2, p1;
	s14 =	sshrl.u32 @!p1 s14, $0x4  }
0x2e: {  	s15 =	sxor.u32 @!p1 $0xFFFFFFFF, s10;
	s19 =	simm.s32 @p2 $0x61A00;
	s17 =	smul.u32 @!p1 $0xE39, s14  }
0x2f: {  	s15 =	sshll.u32 @!p1 s15, $0xE;
	s16 =	ssub.s32 @!p1 s16, s18;
	s18 =	ssub.s32 @!p1 s19, s20  }
0x30: {  	s19 =	sadd.s32 @!p1 $0x38, s16;
	s16 =	ssub.s32 @!p1 $0x48, s16;
	s17 =	sshrl.u32 @!p1 s17, $0x12  }
0x31: {  	s20 =	sadd.s32 @!p1 $0xFFF9E600, s18;
	p2 =	sgt.s32 @!p1 s19, $0x7F;
	s17 =	smul.u32 @!p1 $0x48, s17  }
0x32: {  	s18 =	ssub.s32 @!p1 $0x61A80, s18;
	p3 =	sgt.s32 @!p1 s20, $0x7F;
	p2 =	por !p2, p1  }
0x33: {  	p3 =	por !p3, p1;
	s17 =	ssub.s32 @!p1 s14, s17;
	s14 =	smul.u32 @!p1 $0x61A80, s14  }
0x34: {  	s15 =	sand.u32 @!p1 $0x4000, s15;
	s16 =	simm.s32 @!p2 $0x0;
	s18 =	simm.s32 @!p3 $0x0  }
0x35: {  	s16 =	smul.u32 @!p1 s16, s18;
	s13 =	ssub.s32 @!p1 s13, s14;
	s14 =	sand.u32 @!p1 $0xFFFF, s17  }
0x36: {  	s14 =	smul.u32 @!p1 $0xC350, s14;
	s17 =	sshrl.u32 @!p1 s13, $0x3;
	s13 =	sand.u32 @!p1 $0x7, s13  }
0x37: {  	s16 =	sand.u32 @!p1 $0x3FFFFFFF, s16;
	s17 =	sadd.s32 @!p1 s2, s17;
	s13 =	sshll.u32 @!p1 s13, $0x12  }
0x38: {  	s14 =	sadd.s32 @!p1 s14, s17;
	s13 =	sor.u32 @!p1 $0x400, s13;
	s17 =	simm.s32 @!p1 $0x30D400  }
0x39: {  	[tilespmem:s15], [sflag:$0x1] =	stream.strided.gather @!p1 [hbm4b:s14+s13], s16, s17, s13, $0x38;
	[tilespmem:$0x10100] =	vst v63  }
0x3a: {  	p1 =	sge.u32 s31, s6  }
.Ltmp2:
0x3b: {  	_ = 	snop;
	(pc) =	sbr.rel @p1 .LBB1_5-.Ltmp2, $1  }
0x3c: {  	_ =	sdelay $0x3  }
0x3d: {  	p1 =	sgt.s32 s11, $0xFFFFFFC8  }
0x3e: {  	s13 =	smov.u32 s11;
	s14 =	sshra.s32 s11, $0x1F;
	s15 =	smov.u32 s12  }
0x3f: {  	s16 =	sshra.s32 s12, $0x1F;
	s13 =	simm.s32 @!p1 $0xFFFFFFC8;
	p1 =	sgt.s32 s12, $0x61A00  }
0x40: {  	s14 =	sand.u32 s14, s11;
	s26 =	sand.u32 s16, s12;
	s15 =	simm.s32 @!p1 $0x61A00  }
0x41: {  	s13 =	ssub.s32 s13, s14;
	s14 =	ssub.s32 s15, s26  }
0x42: {  	s27 =	sadd.s32 $0x38, s13;
	s13 =	ssub.s32 $0x48, s13;
	s15 =	sadd.s32 $0xFFF9E600, s14  }
0x43: {  	p1 =	sgt.s32 s27, $0x7F;
	s14 =	ssub.s32 $0x61A80, s14;
	p2 =	sgt.s32 s15, $0x7F  }
0x44: {  	s13 =	simm.s32 @p1 $0x0;
	s14 =	simm.s32 @p2 $0x0  }
0x45: {  	s13 =	smul.u32 s13, s14;
	_ =	sdelay $0x1  }
0x46: {  	s14 =	simm.s32 $0x1;
	s13 =	sand.u32 $0x3FFFFFFF, s13  }
0x47: {  	s14 =	simm.s32 @!p0 $0x0;
	_ =	swait.ge [sflag:s4], s13  }
0x48: {  	s28 =	sshll.u32 s14, $0xE;
	s13 =	ssub.s32 $0x0, s13;
	[sflag:s4] =	ssyncset.done $0x0  }
0x49: {  	s29 =	sor.u32 $0x40, s28;
	[sflag:s4] =	ssyncadd.s32 s13  }
0x4a: {  	s30 =	smul.u32 $0x10200, s14;
	v0 =	vld [tilespmem:s29+$0x30]  }
0x4b: {  	v1 =	vld [tilespmem:s29+$0xFFFFFFD0]  }
0x4c: {  	s13 =	sshrl.u32 s30, $0x2;
	v5 =	vld [tilespmem:s29+$0xFFFFFFE0]  }
0x4d: {  	s14 =	sor.u32 $0x8000, s13;
	v6 =	vld [tilespmem:s29+$0xFFFFFFF0]  }
0x4e: {  	s31 =	sand.u32 $0x1, s10;
	v4 =	vld [tilespmem:s29+$0x0];
	s15 =	sadd.s32 $0x0, s14  }
0x4f: {  	s13 =	smul.u32 $0x10200, s31;
	v3 =	vld [tilespmem:s29+$0x10];
	[tilespmem:s15+$0x3870 ss:$0x81] =	vst.msk $0xffff, v0  }
0x50: {  	v2 =	vld [tilespmem:s29+$0x20];
	[tilespmem:s15+$0x810 ss:$0x81] =	vst.msk $0xffff, v1  }
0x51: {  	s16 =	sadd.s32 $0x80, s29;
	s13 =	sshrl.u32 s13, $0x2;
	v0 =	vld [tilespmem:s29+$0xFFFFFFC0];
	[tilespmem:s15+$0x1020 ss:$0x81] =	vst.msk $0xffff, v5  }
0x52: {  	s17 =	simm.s32 $0x4;
	s18 =	simm.s32 $0x8;
	s13 =	sor.u32 $0x8000, s13;
	v1 =	vld [tilespmem:s16+$0x30];
	[tilespmem:s15+$0x1830 ss:$0x81] =	vst.msk $0xffff, v6  }
.LBB1_3:
0x53: {  	p1 =	sne.s32 s18, $0x1FC;
	v5 =	vld [tilespmem:s16+$0xFFFFFFD0];
	[tilespmem:s15+$0x2040 ss:$0x81] =	vst.msk $0xffff, v4  }
0x54: {  	v6 =	vld [tilespmem:s16+$0xFFFFFFE0];
	[tilespmem:s15+$0x2850 ss:$0x81] =	vst.msk $0xffff, v3  }
0x55: {  	s19 =	sshra.s32 s17, $0x2;
	s17 =	smov.u32 s18;
	v7 =	vld [tilespmem:s16+$0xFFFFFFF0];
	[tilespmem:s15+$0x3060 ss:$0x81] =	vst.msk $0xffff, v2  }
.Ltmp3:
0x56: {  	v4 =	vld [tilespmem:s16+$0x0];
	[tilespmem:s15+$0x0 ss:$0x81] =	vst.msk $0xffff, v0;
	s15 =	sadd.s32 s19, s14;
	(pc) =	sbr.rel @p1 .LBB1_3-.Ltmp3, $4  }
0x57: {  	v3 =	vld [tilespmem:s16+$0x10];
	[tilespmem:s15+$0x3870 ss:$0x81] =	vst.msk $0xffff, v1  }
0x58: {  	[tilespmem:s15+$0x810 ss:$0x81] =	vst.msk $0xffff, v5;
	v2 =	vld [tilespmem:s16+$0x20]  }
0x59: {  	v0 =	vld [tilespmem:s16+$0xFFFFFFC0];
	[tilespmem:s15+$0x1020 ss:$0x81] =	vst.msk $0xffff, v6;
	s16 =	sadd.s32 $0x80, s16  }
0x5a: {  	s18 =	sadd.s32 $0x4, s18;
	v1 =	vld [tilespmem:s16+$0x30];
	[tilespmem:s15+$0x1830 ss:$0x81] =	vst.msk $0xffff, v7  }
.Ltmp4:
0x5b: {  	_ = 	snop;
	(pc) =	sbr.rel .LBB1_4-.Ltmp4, $1  }
0x5c: {  	_ =	sdelay $0x3  }
.LBB1_6:
0x5d: {  	_ =	sfence.sel $0x180000  }
0x5e: {  	s2 =	simm.s32 $0x1;
	[bflag:$0x0] =	sbarrier.arrive $0xFFFF  }
0x5f: {  	s31 =	simm.s32 $0x2;
	[sflag:s2] =	ssyncpa.u1 $0x1  }
0x60: {  	[sflag:s31] =	ssyncpa.u1 $0x1  }
0x61: {  	p0 =	sne.s32 s0, $0x0;
	_ =	strace $0x90000047  }
0x62: {  	s0 =	sadd.s32 @!p0 $0x100000, s1;
	[bflag:$0x2] =	sbarrier.arrive $0xFFFF  }
0x63: {  	[sflag:s0] =	ssyncadd.tile.s32 @!p0 $0x1;
	_ =	shalt  }
.Lfunc_end1:
_tile_overlayer_lowered:
.L_overlay_start_2:
0x64: {  	(tag) =	ssettag $0x2  }
0x65: {  	s0 =	rddreg [dreg:$0x0];
	s2 =	stileid.u32  }
0x66: {  	s1 =	rddreg [dreg:$0x1];
	p0 =	sne.s32 s2, $0x0  }
0x67: {  	s3 =	rddreg [dreg:$0x2];
	[bflag:$0x3] =	sbarrier.arrive $0xFFFF;
	s2 =	simm.s32 @!p0 $0x1C01  }
0x68: {  	[timem:s3], [sflag:s2] =	dma.local @!p0 [hbm:s0], s1  }
0x69: {  	s0 =	simm.s32 @!p0 $0x1  }
0x6a: {  	_ =	swait.ge @!p0 [sflag:s0], s1  }
0x6b: {  	s1 =	ssub.s32 @!p0 $0x0, s1;
	[sflag:s0] =	ssyncset.done @!p0 $0x0  }
0x6c: {  	[sflag:s0] =	ssyncadd.s32 @!p0 s1  }
0x6d: {  	[bflag:$0x3] =	sbarrier.arrive $0xFFFF  }
0x6e: {  	_ =	shalt  }

</sc_bundles>
